<compile_context>
chip_gen: v7x
topology: tpu7x:2x2x1
jax: 0.10.2.dev20260603
libtpu: 0.0.44.dev20260713+nightly
codegen_flags: <defaults>
</compile_context>

<pallas_src>
import functools

import jax
import jax.numpy as jnp
from jax import lax
from jax.experimental import pallas as pl
from jax.experimental.pallas import tpu as pltpu
from jax.experimental.pallas import tpu_sc as plsc

_PROBABILITY = 0.12
_T = 2048
_ROWS = 8192
_NW = 32
_RPW = _ROWS // _NW
_NR = 8
_NBLK = _RPW // _NR
_L = 16


def _src_indices():
    key = jax.random.key(42)
    k_replace, k_dir = jax.random.split(key)
    replace = jax.random.uniform(k_replace, (_T,)) < _PROBABILITY
    direction = jnp.where(jax.random.uniform(k_dir, (_T,)) < 0.5, -1, 1)
    pos = jnp.arange(_T)
    neighbor = jnp.where(
        pos == 0, 1, jnp.where(pos == _T - 1, _T - 2, pos + direction)
    )
    return jnp.where(replace, neighbor, pos).astype(jnp.int32)


@functools.partial(
    pl.kernel,
    mesh=plsc.VectorSubcoreMesh(core_axis_name="c", subcore_axis_name="s"),
    out_type=jax.ShapeDtypeStruct((_ROWS, _T), jnp.float32),
    scratch_types=[
        pltpu.VMEM((_T,), jnp.int32),
        pltpu.VMEM((_NR, _T), jnp.float32),
        pltpu.VMEM((_NR, _T), jnp.float32),
        pltpu.VMEM((_NR, _T), jnp.float32),
        pltpu.VMEM((_NR, _T), jnp.float32),
        pltpu.SemaphoreType.DMA,
        pltpu.SemaphoreType.DMA,
        pltpu.SemaphoreType.DMA,
        pltpu.SemaphoreType.DMA,
    ],
    compiler_params=pltpu.CompilerParams(needs_layout_passes=False),
)
def _sc_jitter(x_hbm, src_hbm, out_hbm, src_v,
               in0, in1, out0, out1, sem_i0, sem_i1, sem_o0, sem_o1):
    wid = lax.axis_index("s") * 2 + lax.axis_index("c")
    row0 = wid * _RPW
    pltpu.sync_copy(src_hbm, src_v)

    ins = (in0, in1)
    outs = (out0, out1)
    sems_i = (sem_i0, sem_i1)
    sems_o = (sem_o0, sem_o1)

    def in_slice(g):
        return x_hbm.at[pl.ds(row0 + g * _NR, _NR), :]

    def out_slice(g):
        return out_hbm.at[pl.ds(row0 + g * _NR, _NR), :]

    pltpu.make_async_copy(in_slice(0), ins[0], sems_i[0]).start()

    def process(g, ph):
        pltpu.make_async_copy(in_slice(g), ins[ph], sems_i[ph]).wait()
        @pl.when(g + 1 < _NBLK)
        def _():
            pltpu.make_async_copy(
                in_slice(g + 1), ins[1 - ph], sems_i[1 - ph]
            ).start()

        @pl.when(g >= 2)
        def _():
            pltpu.make_async_copy(outs[ph], out_slice(g - 2), sems_o[ph]).wait()

        @plsc.parallel_loop(0, _T // _L, unroll=8)
        def chunk(j):
            off = j * _L
            col = src_v[pl.ds(off, _L)]
            for r in range(_NR):
                rvec = jnp.full((_L,), r, dtype=jnp.int32)
                gat = plsc.load_gather(ins[ph], [rvec, col])
                outs[ph][r, pl.ds(off, _L)] = gat

        pltpu.make_async_copy(outs[ph], out_slice(g), sems_o[ph]).start()

    def pair(i, carry):
        process(i * 2, 0)
        process(i * 2 + 1, 1)
        return carry

    lax.fori_loop(0, _NBLK // 2, pair, 0)
    pltpu.make_async_copy(outs[0], out_slice(_NBLK - 2), sems_o[0]).wait()
    pltpu.make_async_copy(outs[1], out_slice(_NBLK - 1), sems_o[1]).wait()


def kernel(quantized):
    B, C, T = quantized.shape
    x2d = quantized.reshape(B * C, T)
    src = _src_indices()
    out = _sc_jitter(x2d, src)
    return out.reshape(B, C, T)

# --- scband reference (transcript-rebuilt; emitter-appended) ---
"""Pipeline reference for scband-jitter-24352464568637 (READ-ONLY COPY).

The authoritative reference and input builder live on the scoring server;
editing this copy changes nothing except your own understanding.
"""

import jax, jax.numpy as jnp
import numpy as np

_PROBABILITY = 0.12


def setup_inputs(seed: int = 0) -> dict:
    key = jax.random.key(seed)
    quantized = jax.random.normal(key, (16, 512, 2048), dtype=jnp.float32)
    return {"quantized": quantized}


def reference(quantized):
    # Jitter: each time step t of quantized[B, C, T] is, with probability p,
    # replaced by one of its temporal neighbors (detached / stop-gradient,
    # matching the torch code which assigns from a detached clone).
    T = quantized.shape[2]
    key = jax.random.key(42)
    k_replace, k_dir = jax.random.split(key)
    replace = jax.random.uniform(k_replace, (T,)) < _PROBABILITY
    # direction: -1 or +1 with equal probability (only used for interior steps)
    direction = jnp.where(jax.random.uniform(k_dir, (T,)) < 0.5, -1, 1)
    pos = jnp.arange(T)
    neighbor = jnp.where(pos == 0, 1, jnp.where(pos == T - 1, T - 2, pos + direction))
    # gather neighbor values from the detached original tensor
    gathered = jnp.take(jax.lax.stop_gradient(quantized), neighbor, axis=2)
    out = jnp.where(replace[None, None, :], gathered, quantized)
    return out

if __name__ == "__main__":
    import jax
    _d = setup_inputs()
    print(jax.jit(kernel)(*tuple(_d.values())))

</pallas_src>

<mosaic_0001>
#map = affine_map<(d0, d1) -> (0, 0)>
#map1 = affine_map<(d0, d1) -> (0)>
module attributes {stable_mosaic.version = 14 : i64} {
  func.func @_sc_jitter(%arg0: i32, %arg1: i32, %arg2: memref<8192x2048xf32, #tpu.memory_space<hbm>>, %arg3: memref<2048xi32, #tpu.memory_space<hbm>>, %arg4: memref<8192x2048xf32, #tpu.memory_space<hbm>>, %arg5: memref<2048xi32, #tpu.memory_space<vmem>>, %arg6: memref<8x2048xf32, #tpu.memory_space<vmem>>, %arg7: memref<8x2048xf32, #tpu.memory_space<vmem>>, %arg8: memref<8x2048xf32, #tpu.memory_space<vmem>>, %arg9: memref<8x2048xf32, #tpu.memory_space<vmem>>, %arg10: memref<!tpu.dma_semaphore, #tpu.memory_space<semaphore_mem>>, %arg11: memref<!tpu.dma_semaphore, #tpu.memory_space<semaphore_mem>>, %arg12: memref<!tpu.dma_semaphore, #tpu.memory_space<semaphore_mem>>, %arg13: memref<!tpu.dma_semaphore, #tpu.memory_space<semaphore_mem>>) attributes {dimension_semantics = [#tpu.dimension_semantics<core_parallel>, #tpu.dimension_semantics<subcore_parallel>], iteration_bounds = array<i64: 2, 16>, scalar_prefetch = 0 : i64, scratch_operands = 9 : i64, tpu.core_type = #tpu.core_type<sc_vector_subcore>, window_params = [{transform_indices = #map}, {transform_indices = #map1}, {transform_indices = #map}]} {
    %mul3A = arith.constant 2 : i32
    %mul3A_0 = arith.muli %arg1, %mul3A : i32
    %add3A = arith.addi %mul3A_0, %arg0 : i32
    %mul3A_1 = arith.constant 256 : i32
    %mul3A_2 = arith.muli %add3A, %mul3A_1 : i32
    "tpu.region"() ({
      %run_scoped3A = tpu.sem_alloc : memref<!tpu.dma_semaphore, #tpu.memory_space<semaphore_mem>>
      tpu.enqueue_dma source(%arg3 : memref<2048xi32, #tpu.memory_space<hbm>>) target(%arg5 : memref<2048xi32, #tpu.memory_space<vmem>>) target_semaphore(%run_scoped3A : memref<!tpu.dma_semaphore, #tpu.memory_space<semaphore_mem>>)
      tpu.wait_dma2 semaphore(%run_scoped3A : memref<!tpu.dma_semaphore, #tpu.memory_space<semaphore_mem>>) src(%arg3 : memref<2048xi32, #tpu.memory_space<hbm>>) dst(%arg5 : memref<2048xi32, #tpu.memory_space<vmem>>)
      tpu.yield
    }) : () -> ()
    %add3A_3 = arith.constant 0 : i32
    %add3A_4 = arith.addi %mul3A_2, %add3A_3 : i32
    %dma_start3A = arith.constant 0 : i32
    %dma_start3A_5 = tpu.memref_slice %arg2[%add3A_4, %dma_start3A] : memref<8192x2048xf32, #tpu.memory_space<hbm>> -> memref<8x2048xf32, #tpu.memory_space<hbm>>
    %dma_start3A_6 = arith.constant 0 : i32
    %dma_start3A_7 = tpu.memref_slice %arg2[%add3A_4, %dma_start3A_6] : memref<8192x2048xf32, #tpu.memory_space<hbm>> -> memref<8x2048xf32, #tpu.memory_space<hbm>>
    tpu.enqueue_dma source(%dma_start3A_7 : memref<8x2048xf32, #tpu.memory_space<hbm>>) target(%arg6 : memref<8x2048xf32, #tpu.memory_space<vmem>>) target_semaphore(%arg10 : memref<!tpu.dma_semaphore, #tpu.memory_space<semaphore_mem>>)
    %scan3A = arith.constant 0 : i32
    %scan3A_8 = arith.constant 0 : i32
    %scan3A_9 = arith.constant 16 : i32
    %scan3A_10 = arith.addi %scan3A_8, %scan3A_9 : i32
    %scan3A_11 = arith.constant 1 : i32
    scf.for %scan3A_24 = %scan3A_8 to %scan3A_10 step %scan3A_11  : i32 {
      %mul3A_25 = arith.constant 2 : i32
      %mul3A_26 = arith.muli %scan3A_24, %mul3A_25 : i32
      %mul3A_27 = arith.constant 8 : i32
      %mul3A_28 = arith.muli %mul3A_26, %mul3A_27 : i32
      %add3A_29 = arith.addi %mul3A_2, %mul3A_28 : i32
      %dma_wait3A_30 = arith.constant 0 : i32
      %dma_wait3A_31 = tpu.memref_slice %arg2[%add3A_29, %dma_wait3A_30] : memref<8192x2048xf32, #tpu.memory_space<hbm>> -> memref<8x2048xf32, #tpu.memory_space<hbm>>
      %dma_wait3A_32 = arith.constant 0 : i32
      %dma_wait3A_33 = tpu.memref_slice %arg2[%add3A_29, %dma_wait3A_32] : memref<8192x2048xf32, #tpu.memory_space<hbm>> -> memref<8x2048xf32, #tpu.memory_space<hbm>>
      tpu.wait_dma2 semaphore(%arg10 : memref<!tpu.dma_semaphore, #tpu.memory_space<semaphore_mem>>) src(%dma_wait3A_33 : memref<8x2048xf32, #tpu.memory_space<hbm>>) dst(%arg6 : memref<8x2048xf32, #tpu.memory_space<vmem>>)
      %add3A_34 = arith.constant 1 : i32
      %add3A_35 = arith.addi %mul3A_26, %add3A_34 : i32
      %lt3A = arith.constant 32 : i32
      %lt3A_36 = arith.cmpi slt, %add3A_35, %lt3A : i32
      %convert_element_type3A = arith.extui %lt3A_36 : i1 to i32
      %cond3A = arith.constant 0 : i32
      %cond3A_37 = arith.cmpi ne, %convert_element_type3A, %cond3A : i32
      scf.if %cond3A_37 {
        %add3A_84 = arith.constant 1 : i32
        %add3A_85 = arith.addi %mul3A_26, %add3A_84 : i32
        %mul3A_86 = arith.constant 8 : i32
        %mul3A_87 = arith.muli %add3A_85, %mul3A_86 : i32
        %add3A_88 = arith.addi %mul3A_2, %mul3A_87 : i32
        %dma_start3A_89 = arith.constant 0 : i32
        %dma_start3A_90 = tpu.memref_slice %arg2[%add3A_88, %dma_start3A_89] : memref<8192x2048xf32, #tpu.memory_space<hbm>> -> memref<8x2048xf32, #tpu.memory_space<hbm>>
        %dma_start3A_91 = arith.constant 0 : i32
        %dma_start3A_92 = tpu.memref_slice %arg2[%add3A_88, %dma_start3A_91] : memref<8192x2048xf32, #tpu.memory_space<hbm>> -> memref<8x2048xf32, #tpu.memory_space<hbm>>
        tpu.enqueue_dma source(%dma_start3A_92 : memref<8x2048xf32, #tpu.memory_space<hbm>>) target(%arg7 : memref<8x2048xf32, #tpu.memory_space<vmem>>) target_semaphore(%arg11 : memref<!tpu.dma_semaphore, #tpu.memory_space<semaphore_mem>>)
      } else {
      }
      %ge3A = arith.constant 2 : i32
      %ge3A_38 = arith.cmpi sge, %mul3A_26, %ge3A : i32
      %convert_element_type3A_39 = arith.extui %ge3A_38 : i1 to i32
      %cond3A_40 = arith.constant 0 : i32
      %cond3A_41 = arith.cmpi ne, %convert_element_type3A_39, %cond3A_40 : i32
      scf.if %cond3A_41 {
        %sub3A = arith.constant 2 : i32
        %sub3A_84 = arith.subi %mul3A_26, %sub3A : i32
        %mul3A_85 = arith.constant 8 : i32
        %mul3A_86 = arith.muli %sub3A_84, %mul3A_85 : i32
        %add3A_87 = arith.addi %mul3A_2, %mul3A_86 : i32
        %dma_wait3A_88 = arith.constant 0 : i32
        %dma_wait3A_89 = tpu.memref_slice %arg4[%add3A_87, %dma_wait3A_88] : memref<8192x2048xf32, #tpu.memory_space<hbm>> -> memref<8x2048xf32, #tpu.memory_space<hbm>>
        %dma_wait3A_90 = arith.constant 0 : i32
        %dma_wait3A_91 = tpu.memref_slice %arg4[%add3A_87, %dma_wait3A_90] : memref<8192x2048xf32, #tpu.memory_space<hbm>> -> memref<8x2048xf32, #tpu.memory_space<hbm>>
        tpu.wait_dma2 semaphore(%arg12 : memref<!tpu.dma_semaphore, #tpu.memory_space<semaphore_mem>>) src(%arg8 : memref<8x2048xf32, #tpu.memory_space<vmem>>) dst(%dma_wait3A_91 : memref<8x2048xf32, #tpu.memory_space<hbm>>)
      } else {
      }
      %parallel_loop3A = arith.constant 0 : i32
      %parallel_loop3A_42 = arith.constant 128 : i32
      %parallel_loop3A_43 = arith.constant 1 : i32
      scf.for %parallel_loop3A_84 = %parallel_loop3A to %parallel_loop3A_42 step %parallel_loop3A_43  : i32 {
        %parallel_loop3A_85 = arith.constant 16 : i32
        %parallel_loop3A_86 = arith.muli %parallel_loop3A_84, %parallel_loop3A_85 : i32
        %parallel_loop3A_87 = arith.index_cast %parallel_loop3A_86 : i32 to index
        %parallel_loop3A_88 = tpu.vector_load %arg5[%parallel_loop3A_87] {strides = array<i32>} : memref<2048xi32, #tpu.memory_space<vmem>>, vector<16xi32>,
        %parallel_loop3A_89 = arith.constant 0 : i32
        %parallel_loop3A_90 = vector.broadcast %parallel_loop3A_89 : i32 to vector<16xi32>
        %parallel_loop3A_91 = tpu.vector_load_idx %arg6[%parallel_loop3A_90, %parallel_loop3A_88] : memref<8x2048xf32, #tpu.memory_space<vmem>>[vector<16xi32>, vector<16xi32>], vector<16xf32>,
        %parallel_loop3A_92 = arith.constant 0 : i32
        %parallel_loop3A_93 = arith.index_cast %parallel_loop3A_92 : i32 to index
        %parallel_loop3A_94 = arith.index_cast %parallel_loop3A_86 : i32 to index
        %parallel_loop3A_95 = tpu.vector_load %arg8[%parallel_loop3A_93, %parallel_loop3A_94] {strides = array<i32>} : memref<8x2048xf32, #tpu.memory_space<vmem>>, vector<16xf32>,
        tpu.vector_store %arg8[%parallel_loop3A_93, %parallel_loop3A_94], %parallel_loop3A_91 {strides = array<i32>} : memref<8x2048xf32, #tpu.memory_space<vmem>>, vector<16xf32>,
        %parallel_loop3A_96 = arith.constant 1 : i32
        %parallel_loop3A_97 = vector.broadcast %parallel_loop3A_96 : i32 to vector<16xi32>
        %parallel_loop3A_98 = tpu.vector_load_idx %arg6[%parallel_loop3A_97, %parallel_loop3A_88] : memref<8x2048xf32, #tpu.memory_space<vmem>>[vector<16xi32>, vector<16xi32>], vector<16xf32>,
        %parallel_loop3A_99 = arith.constant 1 : i32
        %parallel_loop3A_100 = arith.index_cast %parallel_loop3A_99 : i32 to index
        %parallel_loop3A_101 = arith.index_cast %parallel_loop3A_86 : i32 to index
        %parallel_loop3A_102 = tpu.vector_load %arg8[%parallel_loop3A_100, %parallel_loop3A_101] {strides = array<i32>} : memref<8x2048xf32, #tpu.memory_space<vmem>>, vector<16xf32>,
        tpu.vector_store %arg8[%parallel_loop3A_100, %parallel_loop3A_101], %parallel_loop3A_98 {strides = array<i32>} : memref<8x2048xf32, #tpu.memory_space<vmem>>, vector<16xf32>,
        %parallel_loop3A_103 = arith.constant 2 : i32
        %parallel_loop3A_104 = vector.broadcast %parallel_loop3A_103 : i32 to vector<16xi32>
        %parallel_loop3A_105 = tpu.vector_load_idx %arg6[%parallel_loop3A_104, %parallel_loop3A_88] : memref<8x2048xf32, #tpu.memory_space<vmem>>[vector<16xi32>, vector<16xi32>], vector<16xf32>,
        %parallel_loop3A_106 = arith.constant 2 : i32
        %parallel_loop3A_107 = arith.index_cast %parallel_loop3A_106 : i32 to index
        %parallel_loop3A_108 = arith.index_cast %parallel_loop3A_86 : i32 to index
        %parallel_loop3A_109 = tpu.vector_load %arg8[%parallel_loop3A_107, %parallel_loop3A_108] {strides = array<i32>} : memref<8x2048xf32, #tpu.memory_space<vmem>>, vector<16xf32>,
        tpu.vector_store %arg8[%parallel_loop3A_107, %parallel_loop3A_108], %parallel_loop3A_105 {strides = array<i32>} : memref<8x2048xf32, #tpu.memory_space<vmem>>, vector<16xf32>,
        %parallel_loop3A_110 = arith.constant 3 : i32
        %parallel_loop3A_111 = vector.broadcast %parallel_loop3A_110 : i32 to vector<16xi32>
        %parallel_loop3A_112 = tpu.vector_load_idx %arg6[%parallel_loop3A_111, %parallel_loop3A_88] : memref<8x2048xf32, #tpu.memory_space<vmem>>[vector<16xi32>, vector<16xi32>], vector<16xf32>,
        %parallel_loop3A_113 = arith.constant 3 : i32
        %parallel_loop3A_114 = arith.index_cast %parallel_loop3A_113 : i32 to index
        %parallel_loop3A_115 = arith.index_cast %parallel_loop3A_86 : i32 to index
        %parallel_loop3A_116 = tpu.vector_load %arg8[%parallel_loop3A_114, %parallel_loop3A_115] {strides = array<i32>} : memref<8x2048xf32, #tpu.memory_space<vmem>>, vector<16xf32>,
        tpu.vector_store %arg8[%parallel_loop3A_114, %parallel_loop3A_115], %parallel_loop3A_112 {strides = array<i32>} : memref<8x2048xf32, #tpu.memory_space<vmem>>, vector<16xf32>,
        %parallel_loop3A_117 = arith.constant 4 : i32
        %parallel_loop3A_118 = vector.broadcast %parallel_loop3A_117 : i32 to vector<16xi32>
        %parallel_loop3A_119 = tpu.vector_load_idx %arg6[%parallel_loop3A_118, %parallel_loop3A_88] : memref<8x2048xf32, #tpu.memory_space<vmem>>[vector<16xi32>, vector<16xi32>], vector<16xf32>,
        %parallel_loop3A_120 = arith.constant 4 : i32
        %parallel_loop3A_121 = arith.index_cast %parallel_loop3A_120 : i32 to index
        %parallel_loop3A_122 = arith.index_cast %parallel_loop3A_86 : i32 to index
        %parallel_loop3A_123 = tpu.vector_load %arg8[%parallel_loop3A_121, %parallel_loop3A_122] {strides = array<i32>} : memref<8x2048xf32, #tpu.memory_space<vmem>>, vector<16xf32>,
        tpu.vector_store %arg8[%parallel_loop3A_121, %parallel_loop3A_122], %parallel_loop3A_119 {strides = array<i32>} : memref<8x2048xf32, #tpu.memory_space<vmem>>, vector<16xf32>,
        %parallel_loop3A_124 = arith.constant 5 : i32
        %parallel_loop3A_125 = vector.broadcast %parallel_loop3A_124 : i32 to vector<16xi32>
        %parallel_loop3A_126 = tpu.vector_load_idx %arg6[%parallel_loop3A_125, %parallel_loop3A_88] : memref<8x2048xf32, #tpu.memory_space<vmem>>[vector<16xi32>, vector<16xi32>], vector<16xf32>,
        %parallel_loop3A_127 = arith.constant 5 : i32
        %parallel_loop3A_128 = arith.index_cast %parallel_loop3A_127 : i32 to index
        %parallel_loop3A_129 = arith.index_cast %parallel_loop3A_86 : i32 to index
        %parallel_loop3A_130 = tpu.vector_load %arg8[%parallel_loop3A_128, %parallel_loop3A_129] {strides = array<i32>} : memref<8x2048xf32, #tpu.memory_space<vmem>>, vector<16xf32>,
        tpu.vector_store %arg8[%parallel_loop3A_128, %parallel_loop3A_129], %parallel_loop3A_126 {strides = array<i32>} : memref<8x2048xf32, #tpu.memory_space<vmem>>, vector<16xf32>,
        %parallel_loop3A_131 = arith.constant 6 : i32
        %parallel_loop3A_132 = vector.broadcast %parallel_loop3A_131 : i32 to vector<16xi32>
        %parallel_loop3A_133 = tpu.vector_load_idx %arg6[%parallel_loop3A_132, %parallel_loop3A_88] : memref<8x2048xf32, #tpu.memory_space<vmem>>[vector<16xi32>, vector<16xi32>], vector<16xf32>,
        %parallel_loop3A_134 = arith.constant 6 : i32
        %parallel_loop3A_135 = arith.index_cast %parallel_loop3A_134 : i32 to index
        %parallel_loop3A_136 = arith.index_cast %parallel_loop3A_86 : i32 to index
        %parallel_loop3A_137 = tpu.vector_load %arg8[%parallel_loop3A_135, %parallel_loop3A_136] {strides = array<i32>} : memref<8x2048xf32, #tpu.memory_space<vmem>>, vector<16xf32>,
        tpu.vector_store %arg8[%parallel_loop3A_135, %parallel_loop3A_136], %parallel_loop3A_133 {strides = array<i32>} : memref<8x2048xf32, #tpu.memory_space<vmem>>, vector<16xf32>,
        %parallel_loop3A_138 = arith.constant 7 : i32
        %parallel_loop3A_139 = vector.broadcast %parallel_loop3A_138 : i32 to vector<16xi32>
        %parallel_loop3A_140 = tpu.vector_load_idx %arg6[%parallel_loop3A_139, %parallel_loop3A_88] : memref<8x2048xf32, #tpu.memory_space<vmem>>[vector<16xi32>, vector<16xi32>], vector<16xf32>,
        %parallel_loop3A_141 = arith.constant 7 : i32
        %parallel_loop3A_142 = arith.index_cast %parallel_loop3A_141 : i32 to index
        %parallel_loop3A_143 = arith.index_cast %parallel_loop3A_86 : i32 to index
        %parallel_loop3A_144 = tpu.vector_load %arg8[%parallel_loop3A_142, %parallel_loop3A_143] {strides = array<i32>} : memref<8x2048xf32, #tpu.memory_space<vmem>>, vector<16xf32>,
        tpu.vector_store %arg8[%parallel_loop3A_142, %parallel_loop3A_143], %parallel_loop3A_140 {strides = array<i32>} : memref<8x2048xf32, #tpu.memory_space<vmem>>, vector<16xf32>,
      } {sc.loop_unroll_factor = 8 : i64, sc.parallel_access}
      %mul3A_44 = arith.constant 8 : i32
      %mul3A_45 = arith.muli %mul3A_26, %mul3A_44 : i32
      %add3A_46 = arith.addi %mul3A_2, %mul3A_45 : i32
      %dma_start3A_47 = arith.constant 0 : i32
      %dma_start3A_48 = tpu.memref_slice %arg4[%add3A_46, %dma_start3A_47] : memref<8192x2048xf32, #tpu.memory_space<hbm>> -> memref<8x2048xf32, #tpu.memory_space<hbm>>
      %dma_start3A_49 = arith.constant 0 : i32
      %dma_start3A_50 = tpu.memref_slice %arg4[%add3A_46, %dma_start3A_49] : memref<8192x2048xf32, #tpu.memory_space<hbm>> -> memref<8x2048xf32, #tpu.memory_space<hbm>>
      tpu.enqueue_dma source(%arg8 : memref<8x2048xf32, #tpu.memory_space<vmem>>) target(%dma_start3A_50 : memref<8x2048xf32, #tpu.memory_space<hbm>>) target_semaphore(%arg12 : memref<!tpu.dma_semaphore, #tpu.memory_space<semaphore_mem>>)
      %mul3A_51 = arith.constant 2 : i32
      %mul3A_52 = arith.muli %scan3A_24, %mul3A_51 : i32
      %add3A_53 = arith.constant 1 : i32
      %add3A_54 = arith.addi %mul3A_52, %add3A_53 : i32
      %mul3A_55 = arith.constant 8 : i32
      %mul3A_56 = arith.muli %add3A_54, %mul3A_55 : i32
      %add3A_57 = arith.addi %mul3A_2, %mul3A_56 : i32
      %dma_wait3A_58 = arith.constant 0 : i32
      %dma_wait3A_59 = tpu.memref_slice %arg2[%add3A_57, %dma_wait3A_58] : memref<8192x2048xf32, #tpu.memory_space<hbm>> -> memref<8x2048xf32, #tpu.memory_space<hbm>>
      %dma_wait3A_60 = arith.constant 0 : i32
      %dma_wait3A_61 = tpu.memref_slice %arg2[%add3A_57, %dma_wait3A_60] : memref<8192x2048xf32, #tpu.memory_space<hbm>> -> memref<8x2048xf32, #tpu.memory_space<hbm>>
      tpu.wait_dma2 semaphore(%arg11 : memref<!tpu.dma_semaphore, #tpu.memory_space<semaphore_mem>>) src(%dma_wait3A_61 : memref<8x2048xf32, #tpu.memory_space<hbm>>) dst(%arg7 : memref<8x2048xf32, #tpu.memory_space<vmem>>)
      %add3A_62 = arith.constant 1 : i32
      %add3A_63 = arith.addi %add3A_54, %add3A_62 : i32
      %lt3A_64 = arith.constant 32 : i32
      %lt3A_65 = arith.cmpi slt, %add3A_63, %lt3A_64 : i32
      %convert_element_type3A_66 = arith.extui %lt3A_65 : i1 to i32
      %cond3A_67 = arith.constant 0 : i32
      %cond3A_68 = arith.cmpi ne, %convert_element_type3A_66, %cond3A_67 : i32
      scf.if %cond3A_68 {
        %add3A_84 = arith.constant 1 : i32
        %add3A_85 = arith.addi %add3A_54, %add3A_84 : i32
        %mul3A_86 = arith.constant 8 : i32
        %mul3A_87 = arith.muli %add3A_85, %mul3A_86 : i32
        %add3A_88 = arith.addi %mul3A_2, %mul3A_87 : i32
        %dma_start3A_89 = arith.constant 0 : i32
        %dma_start3A_90 = tpu.memref_slice %arg2[%add3A_88, %dma_start3A_89] : memref<8192x2048xf32, #tpu.memory_space<hbm>> -> memref<8x2048xf32, #tpu.memory_space<hbm>>
        %dma_start3A_91 = arith.constant 0 : i32
        %dma_start3A_92 = tpu.memref_slice %arg2[%add3A_88, %dma_start3A_91] : memref<8192x2048xf32, #tpu.memory_space<hbm>> -> memref<8x2048xf32, #tpu.memory_space<hbm>>
        tpu.enqueue_dma source(%dma_start3A_92 : memref<8x2048xf32, #tpu.memory_space<hbm>>) target(%arg6 : memref<8x2048xf32, #tpu.memory_space<vmem>>) target_semaphore(%arg10 : memref<!tpu.dma_semaphore, #tpu.memory_space<semaphore_mem>>)
      } else {
      }
      %ge3A_69 = arith.constant 2 : i32
      %ge3A_70 = arith.cmpi sge, %add3A_54, %ge3A_69 : i32
      %convert_element_type3A_71 = arith.extui %ge3A_70 : i1 to i32
      %cond3A_72 = arith.constant 0 : i32
      %cond3A_73 = arith.cmpi ne, %convert_element_type3A_71, %cond3A_72 : i32
      scf.if %cond3A_73 {
        %sub3A = arith.constant 2 : i32
        %sub3A_84 = arith.subi %add3A_54, %sub3A : i32
        %mul3A_85 = arith.constant 8 : i32
        %mul3A_86 = arith.muli %sub3A_84, %mul3A_85 : i32
        %add3A_87 = arith.addi %mul3A_2, %mul3A_86 : i32
        %dma_wait3A_88 = arith.constant 0 : i32
        %dma_wait3A_89 = tpu.memref_slice %arg4[%add3A_87, %dma_wait3A_88] : memref<8192x2048xf32, #tpu.memory_space<hbm>> -> memref<8x2048xf32, #tpu.memory_space<hbm>>
        %dma_wait3A_90 = arith.constant 0 : i32
        %dma_wait3A_91 = tpu.memref_slice %arg4[%add3A_87, %dma_wait3A_90] : memref<8192x2048xf32, #tpu.memory_space<hbm>> -> memref<8x2048xf32, #tpu.memory_space<hbm>>
        tpu.wait_dma2 semaphore(%arg13 : memref<!tpu.dma_semaphore, #tpu.memory_space<semaphore_mem>>) src(%arg9 : memref<8x2048xf32, #tpu.memory_space<vmem>>) dst(%dma_wait3A_91 : memref<8x2048xf32, #tpu.memory_space<hbm>>)
      } else {
      }
      %parallel_loop3A_74 = arith.constant 0 : i32
      %parallel_loop3A_75 = arith.constant 128 : i32
      %parallel_loop3A_76 = arith.constant 1 : i32
      scf.for %parallel_loop3A_84 = %parallel_loop3A_74 to %parallel_loop3A_75 step %parallel_loop3A_76  : i32 {
        %parallel_loop3A_85 = arith.constant 16 : i32
        %parallel_loop3A_86 = arith.muli %parallel_loop3A_84, %parallel_loop3A_85 : i32
        %parallel_loop3A_87 = arith.index_cast %parallel_loop3A_86 : i32 to index
        %parallel_loop3A_88 = tpu.vector_load %arg5[%parallel_loop3A_87] {strides = array<i32>} : memref<2048xi32, #tpu.memory_space<vmem>>, vector<16xi32>,
        %parallel_loop3A_89 = arith.constant 0 : i32
        %parallel_loop3A_90 = vector.broadcast %parallel_loop3A_89 : i32 to vector<16xi32>
        %parallel_loop3A_91 = tpu.vector_load_idx %arg7[%parallel_loop3A_90, %parallel_loop3A_88] : memref<8x2048xf32, #tpu.memory_space<vmem>>[vector<16xi32>, vector<16xi32>], vector<16xf32>,
        %parallel_loop3A_92 = arith.constant 0 : i32
        %parallel_loop3A_93 = arith.index_cast %parallel_loop3A_92 : i32 to index
        %parallel_loop3A_94 = arith.index_cast %parallel_loop3A_86 : i32 to index
        %parallel_loop3A_95 = tpu.vector_load %arg9[%parallel_loop3A_93, %parallel_loop3A_94] {strides = array<i32>} : memref<8x2048xf32, #tpu.memory_space<vmem>>, vector<16xf32>,
        tpu.vector_store %arg9[%parallel_loop3A_93, %parallel_loop3A_94], %parallel_loop3A_91 {strides = array<i32>} : memref<8x2048xf32, #tpu.memory_space<vmem>>, vector<16xf32>,
        %parallel_loop3A_96 = arith.constant 1 : i32
        %parallel_loop3A_97 = vector.broadcast %parallel_loop3A_96 : i32 to vector<16xi32>
        %parallel_loop3A_98 = tpu.vector_load_idx %arg7[%parallel_loop3A_97, %parallel_loop3A_88] : memref<8x2048xf32, #tpu.memory_space<vmem>>[vector<16xi32>, vector<16xi32>], vector<16xf32>,
        %parallel_loop3A_99 = arith.constant 1 : i32
        %parallel_loop3A_100 = arith.index_cast %parallel_loop3A_99 : i32 to index
        %parallel_loop3A_101 = arith.index_cast %parallel_loop3A_86 : i32 to index
        %parallel_loop3A_102 = tpu.vector_load %arg9[%parallel_loop3A_100, %parallel_loop3A_101] {strides = array<i32>} : memref<8x2048xf32, #tpu.memory_space<vmem>>, vector<16xf32>,
        tpu.vector_store %arg9[%parallel_loop3A_100, %parallel_loop3A_101], %parallel_loop3A_98 {strides = array<i32>} : memref<8x2048xf32, #tpu.memory_space<vmem>>, vector<16xf32>,
        %parallel_loop3A_103 = arith.constant 2 : i32
        %parallel_loop3A_104 = vector.broadcast %parallel_loop3A_103 : i32 to vector<16xi32>
        %parallel_loop3A_105 = tpu.vector_load_idx %arg7[%parallel_loop3A_104, %parallel_loop3A_88] : memref<8x2048xf32, #tpu.memory_space<vmem>>[vector<16xi32>, vector<16xi32>], vector<16xf32>,
        %parallel_loop3A_106 = arith.constant 2 : i32
        %parallel_loop3A_107 = arith.index_cast %parallel_loop3A_106 : i32 to index
        %parallel_loop3A_108 = arith.index_cast %parallel_loop3A_86 : i32 to index
        %parallel_loop3A_109 = tpu.vector_load %arg9[%parallel_loop3A_107, %parallel_loop3A_108] {strides = array<i32>} : memref<8x2048xf32, #tpu.memory_space<vmem>>, vector<16xf32>,
        tpu.vector_store %arg9[%parallel_loop3A_107, %parallel_loop3A_108], %parallel_loop3A_105 {strides = array<i32>} : memref<8x2048xf32, #tpu.memory_space<vmem>>, vector<16xf32>,
        %parallel_loop3A_110 = arith.constant 3 : i32
        %parallel_loop3A_111 = vector.broadcast %parallel_loop3A_110 : i32 to vector<16xi32>
        %parallel_loop3A_112 = tpu.vector_load_idx %arg7[%parallel_loop3A_111, %parallel_loop3A_88] : memref<8x2048xf32, #tpu.memory_space<vmem>>[vector<16xi32>, vector<16xi32>], vector<16xf32>,
        %parallel_loop3A_113 = arith.constant 3 : i32
        %parallel_loop3A_114 = arith.index_cast %parallel_loop3A_113 : i32 to index
        %parallel_loop3A_115 = arith.index_cast %parallel_loop3A_86 : i32 to index
        %parallel_loop3A_116 = tpu.vector_load %arg9[%parallel_loop3A_114, %parallel_loop3A_115] {strides = array<i32>} : memref<8x2048xf32, #tpu.memory_space<vmem>>, vector<16xf32>,
        tpu.vector_store %arg9[%parallel_loop3A_114, %parallel_loop3A_115], %parallel_loop3A_112 {strides = array<i32>} : memref<8x2048xf32, #tpu.memory_space<vmem>>, vector<16xf32>,
        %parallel_loop3A_117 = arith.constant 4 : i32
        %parallel_loop3A_118 = vector.broadcast %parallel_loop3A_117 : i32 to vector<16xi32>
        %parallel_loop3A_119 = tpu.vector_load_idx %arg7[%parallel_loop3A_118, %parallel_loop3A_88] : memref<8x2048xf32, #tpu.memory_space<vmem>>[vector<16xi32>, vector<16xi32>], vector<16xf32>,
        %parallel_loop3A_120 = arith.constant 4 : i32
        %parallel_loop3A_121 = arith.index_cast %parallel_loop3A_120 : i32 to index
        %parallel_loop3A_122 = arith.index_cast %parallel_loop3A_86 : i32 to index
        %parallel_loop3A_123 = tpu.vector_load %arg9[%parallel_loop3A_121, %parallel_loop3A_122] {strides = array<i32>} : memref<8x2048xf32, #tpu.memory_space<vmem>>, vector<16xf32>,
        tpu.vector_store %arg9[%parallel_loop3A_121, %parallel_loop3A_122], %parallel_loop3A_119 {strides = array<i32>} : memref<8x2048xf32, #tpu.memory_space<vmem>>, vector<16xf32>,
        %parallel_loop3A_124 = arith.constant 5 : i32
        %parallel_loop3A_125 = vector.broadcast %parallel_loop3A_124 : i32 to vector<16xi32>
        %parallel_loop3A_126 = tpu.vector_load_idx %arg7[%parallel_loop3A_125, %parallel_loop3A_88] : memref<8x2048xf32, #tpu.memory_space<vmem>>[vector<16xi32>, vector<16xi32>], vector<16xf32>,
        %parallel_loop3A_127 = arith.constant 5 : i32
        %parallel_loop3A_128 = arith.index_cast %parallel_loop3A_127 : i32 to index
        %parallel_loop3A_129 = arith.index_cast %parallel_loop3A_86 : i32 to index
        %parallel_loop3A_130 = tpu.vector_load %arg9[%parallel_loop3A_128, %parallel_loop3A_129] {strides = array<i32>} : memref<8x2048xf32, #tpu.memory_space<vmem>>, vector<16xf32>,
        tpu.vector_store %arg9[%parallel_loop3A_128, %parallel_loop3A_129], %parallel_loop3A_126 {strides = array<i32>} : memref<8x2048xf32, #tpu.memory_space<vmem>>, vector<16xf32>,
        %parallel_loop3A_131 = arith.constant 6 : i32
        %parallel_loop3A_132 = vector.broadcast %parallel_loop3A_131 : i32 to vector<16xi32>
        %parallel_loop3A_133 = tpu.vector_load_idx %arg7[%parallel_loop3A_132, %parallel_loop3A_88] : memref<8x2048xf32, #tpu.memory_space<vmem>>[vector<16xi32>, vector<16xi32>], vector<16xf32>,
        %parallel_loop3A_134 = arith.constant 6 : i32
        %parallel_loop3A_135 = arith.index_cast %parallel_loop3A_134 : i32 to index
        %parallel_loop3A_136 = arith.index_cast %parallel_loop3A_86 : i32 to index
        %parallel_loop3A_137 = tpu.vector_load %arg9[%parallel_loop3A_135, %parallel_loop3A_136] {strides = array<i32>} : memref<8x2048xf32, #tpu.memory_space<vmem>>, vector<16xf32>,
        tpu.vector_store %arg9[%parallel_loop3A_135, %parallel_loop3A_136], %parallel_loop3A_133 {strides = array<i32>} : memref<8x2048xf32, #tpu.memory_space<vmem>>, vector<16xf32>,
        %parallel_loop3A_138 = arith.constant 7 : i32
        %parallel_loop3A_139 = vector.broadcast %parallel_loop3A_138 : i32 to vector<16xi32>
        %parallel_loop3A_140 = tpu.vector_load_idx %arg7[%parallel_loop3A_139, %parallel_loop3A_88] : memref<8x2048xf32, #tpu.memory_space<vmem>>[vector<16xi32>, vector<16xi32>], vector<16xf32>,
        %parallel_loop3A_141 = arith.constant 7 : i32
        %parallel_loop3A_142 = arith.index_cast %parallel_loop3A_141 : i32 to index
        %parallel_loop3A_143 = arith.index_cast %parallel_loop3A_86 : i32 to index
        %parallel_loop3A_144 = tpu.vector_load %arg9[%parallel_loop3A_142, %parallel_loop3A_143] {strides = array<i32>} : memref<8x2048xf32, #tpu.memory_space<vmem>>, vector<16xf32>,
        tpu.vector_store %arg9[%parallel_loop3A_142, %parallel_loop3A_143], %parallel_loop3A_140 {strides = array<i32>} : memref<8x2048xf32, #tpu.memory_space<vmem>>, vector<16xf32>,
      } {sc.loop_unroll_factor = 8 : i64, sc.parallel_access}
      %mul3A_77 = arith.constant 8 : i32
      %mul3A_78 = arith.muli %add3A_54, %mul3A_77 : i32
      %add3A_79 = arith.addi %mul3A_2, %mul3A_78 : i32
      %dma_start3A_80 = arith.constant 0 : i32
      %dma_start3A_81 = tpu.memref_slice %arg4[%add3A_79, %dma_start3A_80] : memref<8192x2048xf32, #tpu.memory_space<hbm>> -> memref<8x2048xf32, #tpu.memory_space<hbm>>
      %dma_start3A_82 = arith.constant 0 : i32
      %dma_start3A_83 = tpu.memref_slice %arg4[%add3A_79, %dma_start3A_82] : memref<8192x2048xf32, #tpu.memory_space<hbm>> -> memref<8x2048xf32, #tpu.memory_space<hbm>>
      tpu.enqueue_dma source(%arg9 : memref<8x2048xf32, #tpu.memory_space<vmem>>) target(%dma_start3A_83 : memref<8x2048xf32, #tpu.memory_space<hbm>>) target_semaphore(%arg13 : memref<!tpu.dma_semaphore, #tpu.memory_space<semaphore_mem>>)
    }
    %scan3A_12 = arith.constant 16 : i32
    %add3A_13 = arith.constant 240 : i32
    %add3A_14 = arith.addi %mul3A_2, %add3A_13 : i32
    %dma_wait3A = arith.constant 0 : i32
    %dma_wait3A_15 = tpu.memref_slice %arg4[%add3A_14, %dma_wait3A] : memref<8192x2048xf32, #tpu.memory_space<hbm>> -> memref<8x2048xf32, #tpu.memory_space<hbm>>
    %dma_wait3A_16 = arith.constant 0 : i32
    %dma_wait3A_17 = tpu.memref_slice %arg4[%add3A_14, %dma_wait3A_16] : memref<8192x2048xf32, #tpu.memory_space<hbm>> -> memref<8x2048xf32, #tpu.memory_space<hbm>>
    tpu.wait_dma2 semaphore(%arg12 : memref<!tpu.dma_semaphore, #tpu.memory_space<semaphore_mem>>) src(%arg8 : memref<8x2048xf32, #tpu.memory_space<vmem>>) dst(%dma_wait3A_17 : memref<8x2048xf32, #tpu.memory_space<hbm>>)
    %add3A_18 = arith.constant 248 : i32
    %add3A_19 = arith.addi %mul3A_2, %add3A_18 : i32
    %dma_wait3A_20 = arith.constant 0 : i32
    %dma_wait3A_21 = tpu.memref_slice %arg4[%add3A_19, %dma_wait3A_20] : memref<8192x2048xf32, #tpu.memory_space<hbm>> -> memref<8x2048xf32, #tpu.memory_space<hbm>>
    %dma_wait3A_22 = arith.constant 0 : i32
    %dma_wait3A_23 = tpu.memref_slice %arg4[%add3A_19, %dma_wait3A_22] : memref<8192x2048xf32, #tpu.memory_space<hbm>> -> memref<8x2048xf32, #tpu.memory_space<hbm>>
    tpu.wait_dma2 semaphore(%arg13 : memref<!tpu.dma_semaphore, #tpu.memory_space<semaphore_mem>>) src(%arg9 : memref<8x2048xf32, #tpu.memory_space<vmem>>) dst(%dma_wait3A_23 : memref<8x2048xf32, #tpu.memory_space<hbm>>)
    return
  }
}

</mosaic_0001>

<sc_bundles>
// kernel: kernel.3.cloned.1.call-start
scs
__scs_entry_jumppad:
0x0: {  	(pc) =	sbr.rel $0x88, $3  }
0x1: {  	(tag) =	ssettag $0x0;
	lr =	simm.s32 $0x1  }
0x2: {  	[smem:$0x3FA0] =	sst lr;
	_ =	strace $0xD0000000  }
0x3: {  	_ = 	snop  }
0x4: {  	_ = 	snop  }
0x5: {  	_ = 	snop  }
0x6: {  	_ = 	snop  }
0x7: {  	_ = 	snop  }
__scs_overlays_trampoline_lowered:
0x8: {  	[smem:$0x3FAF] =	sst s0  }
0x9: {  	[smem:$0x3FB0] =	sst s1  }
0xa: {  	[smem:$0x3FB1] =	sst s2  }
0xb: {  	[smem:$0x3FB2] =	sst s3  }
0xc: {  	[smem:$0x3FB3] =	sst s4  }
0xd: {  	[smem:$0x3FB4] =	sst s5  }
0xe: {  	[smem:$0x3FB5] =	sst s6  }
0xf: {  	[smem:$0x3FB6] =	sst s7  }
0x10: {  	[smem:$0x3FB7] =	sst s8  }
0x11: {  	[smem:$0x3FB8] =	sst s9;
	s0 =	simm.s32 @!p0 $0x0  }
0x12: {  	s1 =	sld [smem:$0x3F9E];
	s0 =	simm.s32 @p0 $0x1  }
0x13: {  	[smem:$0x3FB9] =	sst s0;
	s0 =	simm.s32 @!p1 $0x0  }
0x14: {  	s2 =	sld [smem:$0x3F9D];
	s0 =	simm.s32 @p1 $0x1  }
0x15: {  	[smem:$0x3FBA] =	sst s0;
	s0 =	simm.s32 @!p2 $0x0  }
0x16: {  	s3 =	sld [smem:$0x3FDB];
	s0 =	simm.s32 @p2 $0x1  }
0x17: {  	s4 =	simm.s32 $0x1BF5;
	[smem:$0x3FBC] =	sst s0  }
0x18: {  	s0 =	sld [smem:$0x3F9F];
	_ =	swait.ge [sflag:s4], $0x0  }
0x19: {  	s7 =	sld [smem:$0x3FA0]  }
0x1a: {  	s8 =	sadd.s32 $0xFFFFE003, lr  }
0x1b: {  	s9 =	sadd.s32 $0xFFFFFEF7, lr;
	s5 =	simm.s32 $0xFFFFFFFF;
	p2 =	slt.u32 s8, $0xFFFFF086  }
0x1c: {  	p1 =	slt.u32 s9, $0xF7A;
	s5 =	simm.s32 @!p2 $0x0  }
0x1d: {  	s5 =	simm.s32 @p1 $0x1;
	p0 =	seq.s32 s7, s2  }
0x1e: {  	s7 =	smul.u32 @!p0 $0xF7A, s2;
	p2 =	seq.s32 @!p0 s5, $0x0  }
0x1f: {  	s9 =	smul.u32 $0xF7A, s1;
	s8 =	simm.s32 @!p0 $0x1BF5;
	p2 =	por !p2, p0  }
0x20: {  	[sflag:s8] =	ssyncset.s32 @!p0 $0xFFFFF086;
	s6 =	sadd.s32 @!p0 s3, s7;
	s7 =	simm.s32 @!p0 $0x108  }
0x21: {  	s3 =	sadd.s32 s3, s9;
	s6 =	sadd.s32 @!p0 $0x88, s6;
	s7 =	simm.s32 @p2 $0x1082  }
0x22: {  	[simem:s7], [sflag:s8] =	dma.local @!p0 [hbm:s6], $0xF7A  }
0x23: {  	s9 =	sor.u32 $0xD0000000, s2;
	s6 =	simm.s32 $0x108;
	_ =	swait.ge @!p0 [sflag:s8], $0x0  }
0x24: {  	s3 =	sadd.s32 $0x88, s3;
	s6 =	simm.s32 @!p1 $0x1082;
	[sflag:s4] =	ssyncset.s32 $0xFFFFF086  }
0x25: {  	[simem:s6], [sflag:s4] =	dma.local [hbm:s3], $0xF7A  }
0x26: {  	[smem:$0x3FA0] =	sst s1;
	(tag) =	ssettag s2;
	_ =	strace s9  }
0x27: {  	s1 =	sld [smem:$0x3FB0]  }
0x28: {  	s2 =	sld [smem:$0x3FB1]  }
0x29: {  	s4 =	sld [smem:$0x3FB3]  }
0x2a: {  	p0 =	seq.s32 s5, $0x0;
	s5 =	sld [smem:$0x3FB4]  }
0x2b: {  	s6 =	sld [smem:$0x3FB5]  }
0x2c: {  	s7 =	sld [smem:$0x3FB6]  }
0x2d: {  	s3 =	simm.s32 $0x108;
	s8 =	sld [smem:$0x3FB7]  }
0x2e: {  	s3 =	simm.s32 @!p0 $0x1082;
	s9 =	sld [smem:$0x3FB8]  }
0x2f: {  	lr =	sadd.s32 s0, s3;
	s0 =	sld [smem:$0x3FAF]  }
0x30: {  	s3 =	sld [smem:$0x3FB2]  }
0x31: {  	[smem:$0x3FBB] =	sst s10  }
0x32: {  	s10 =	sld [smem:$0x3FB9];
	_ =	sdelay $0x3  }
0x33: {  	p0 =	seq.s32 s10, $0x1;
	s10 =	sld [smem:$0x3FBB];
	_ =	sdelay $0x3  }
0x34: {  	[smem:$0x3FBB] =	sst s10  }
0x35: {  	s10 =	sld [smem:$0x3FBA];
	_ =	sdelay $0x3  }
0x36: {  	p1 =	seq.s32 s10, $0x1;
	s10 =	sld [smem:$0x3FBB];
	_ =	sdelay $0x3  }
0x37: {  	[smem:$0x3FBB] =	sst s10  }
0x38: {  	s10 =	sld [smem:$0x3FBC]  }
0x39: {  	_ = 	snop;
	(pc) =	sbr.ind lr, $3  }
0x3a: {  	_ = 	snop  }
0x3b: {  	_ = 	snop  }
0x3c: {  	p2 =	seq.s32 s10, $0x1;
	s10 =	sld [smem:$0x3FBB]  }
0x3d: {  	_ =	shalt  }
0x3e: {  	_ =	shalt  }
0x3f: {  	_ =	shalt  }
0x40: {  	_ =	shalt  }
0x41: {  	_ =	shalt  }
0x42: {  	_ =	shalt  }
0x43: {  	_ =	shalt  }
0x44: {  	_ =	shalt  }
0x45: {  	_ =	shalt  }
0x46: {  	_ =	shalt  }
0x47: {  	_ =	shalt  }
0x48: {  	_ =	shalt  }
0x49: {  	_ =	shalt  }
0x4a: {  	_ =	shalt  }
0x4b: {  	_ =	shalt  }
0x4c: {  	_ =	shalt  }
0x4d: {  	_ =	shalt  }
0x4e: {  	_ =	shalt  }
0x4f: {  	_ =	shalt  }
0x50: {  	_ =	shalt  }
0x51: {  	_ =	shalt  }
0x52: {  	_ =	shalt  }
0x53: {  	_ =	shalt  }
0x54: {  	_ =	shalt  }
0x55: {  	_ =	shalt  }
0x56: {  	_ =	shalt  }
0x57: {  	_ =	shalt  }
0x58: {  	_ =	shalt  }
0x59: {  	_ =	shalt  }
0x5a: {  	_ =	shalt  }
0x5b: {  	_ =	shalt  }
0x5c: {  	_ =	shalt  }
0x5d: {  	_ =	shalt  }
0x5e: {  	_ =	shalt  }
0x5f: {  	_ =	shalt  }
0x60: {  	_ =	shalt  }
0x61: {  	_ =	shalt  }
0x62: {  	_ =	shalt  }
0x63: {  	_ =	shalt  }
0x64: {  	_ =	shalt  }
0x65: {  	_ =	shalt  }
0x66: {  	_ =	shalt  }
0x67: {  	_ =	shalt  }
0x68: {  	_ =	shalt  }
0x69: {  	_ =	shalt  }
0x6a: {  	_ =	shalt  }
0x6b: {  	_ =	shalt  }
0x6c: {  	_ =	shalt  }
0x6d: {  	_ =	shalt  }
0x6e: {  	_ =	shalt  }
0x6f: {  	_ =	shalt  }
0x70: {  	_ =	shalt  }
0x71: {  	_ =	shalt  }
0x72: {  	_ =	shalt  }
0x73: {  	_ =	shalt  }
0x74: {  	_ =	shalt  }
0x75: {  	_ =	shalt  }
0x76: {  	_ =	shalt  }
0x77: {  	_ =	shalt  }
0x78: {  	_ =	shalt  }
0x79: {  	_ =	shalt  }
0x7a: {  	_ =	shalt  }
0x7b: {  	_ =	shalt  }
0x7c: {  	_ =	shalt  }
0x7d: {  	_ =	shalt  }
0x7e: {  	_ =	shalt  }
0x7f: {  	_ =	shalt  }
0x80: {  	_ =	shalt  }
0x81: {  	_ =	shalt  }
0x82: {  	_ =	shalt  }
0x83: {  	_ =	shalt  }
0x84: {  	_ =	shalt  }
0x85: {  	_ =	shalt  }
0x86: {  	_ =	shalt  }
0x87: {  	_ =	shalt  }
.Lfunc_end0:
.L_simem_size_0:
called_computation_lowered:
.L_overlay_start_0:
0x88: {  	s2 =	sld [smem:$0x3FD9]  }
0x89: {  	s3 =	sld [smem:$0x3FFE];
	_ =	sdelay $0x1  }
0x8a: {  	s1 =	srdreg.scid  }
0x8b: {  	s0 =	sand.u32 $0x1, s1  }
0x8c: {  	s17 =	sshll.u32 s0, $0xA;
	s2 =	sadd.s32 s3, s2  }
0x8d: {  	s2 =	sadd.s32 s2, s17  }
0x8e: {  	[smem:$0x3FC7] =	sst s2  }
0x8f: {  	_ = 	snop  }
0x90: {  	s2 =	sld [smem:$0x3FC9]  }
0x91: {  	s18 =	sld [smem:$0x3FD0];
	(tm) =	ssettm $0x1  }
0x92: {  	s4 =	sld [smem:$0x3FFB];
	_ =	sdelay $0x3  }
0x93: {  	_ =	strace s4  }
0x94: {  	s4 =	sld [smem:$0x3FFC];
	_ =	sdelay $0x3  }
0x95: {  	_ =	strace s4  }
0x96: {  	s4 =	sld [smem:$0x3FFD];
	_ =	sdelay $0x3  }
0x97: {  	_ =	strace s4  }
0x98: {  	_ =	strace $0x8FFFFFFF  }
0x99: {  	s19 =	sld [smem:$0x3FDB];
	_ =	sdelay $0x1  }
0x9a: {  	s5 =	simm.s32 $_scs_section_size  }
0x9b: {  	s6 =	simm.s32 $_size__tile_overlayer_lowered;
	s7 =	simm.s32 $_tile_overlayer_lowered  }
0x9c: {  	s22 =	simm.s32 $0x1BFF;
	s21 =	sshll.u32 s7, $0x1;
	s4 =	sadd.s32 s5, s19  }
0x9d: {  	s8 =	simm.s32 $0x0;
	s20 =	sshll.u32 s6, $0x1;
	s6 =	sadd.s32 s21, s4  }
0x9e: {  	[timem:s8], [sflag:s22] =	dma.local [hbm:s6], s20  }
0x9f: {  	_ =	swait.ge [sflag:s22], s20  }
0xa0: {  	s5 =	ssub.s32 $0x0, s20;
	[sflag:s22] =	ssyncset.done $0x0  }
0xa1: {  	[sflag:s22] =	ssyncadd.s32 s5;
	_ =	sdelay $0x1  }
0xa2: {  	s23 =	simm.s32 $0x1B8B  }
0xa3: {  	_ =	swait.ge [sflag:s23], $0x1  }
0xa4: {  	[sflag:s23] =	ssyncset.done $0x0  }
0xa5: {  	s25 =	simm.s32 $0x1B8E;
	s24 =	sld [smem:$0x3FFE];
	[sflag:s23] =	ssyncadd.s32 $0xFFFFFFFF  }
0xa6: {  	s26 =	simm.s32 $execute0_lowered;
	[smem:$0x3FD2] =	sst s25  }
0xa7: {  	s6 =	sshll.u32 s26, $0x1;
	_ =	strace $0x80000046;
	[dreg:$0x1] =	wrdreg $0xFFFFFFFF  }
0xa8: {  	s28 =	simm.s32 $_size_execute0_lowered;
	s4 =	sadd.s32 s4, s6;
	[dreg:$0x0] =	wrdreg $0x0  }
0xa9: {  	s6 =	sshll.u32 s28, $0x1;
	[dreg:$0x2] =	wrdreg s4  }
0xaa: {  	[dreg:$0x3] =	wrdreg s6  }
0xab: {  	[dreg:$0x4] =	wrdreg $0xC0  }
0xac: {  	_ =	task [dreg:s8], $0x5FFFF  }
0xad: {  	[dreg:$0x1] =	wrdreg $0xFFFFFFFF  }
0xae: {  	[dreg:$0x0] =	wrdreg $0x60  }
0xaf: {  	[dreg:$0x2] =	wrdreg s2  }
0xb0: {  	[dreg:$0x3] =	wrdreg s24  }
0xb1: {  	[dreg:$0x4] =	wrdreg s18  }
0xb2: {  	[dreg:$0x5] =	wrdreg $0x9  }
0xb3: {  	_ =	task.clear_ibuf [dreg:s8], $0x6FFFF;
	_ =	strace $0x90000046  }
0xb4: {  	s29 =	simm.s32 $0x9;
	_ =	strace $0x80000048  }
0xb5: {  	_ =	swait.ge [sflag:s29], $0x1  }
0xb6: {  	[sflag:s29] =	ssyncadd.s32 $0xFFFFFFFF  }
0xb7: {  	_ =	strace $0x90000048  }
0xb8: {  	_ =	sfence  }
0xb9: {  	s30 =	sld [smem:$0x0];
	_ =	sdelay $0x2  }
0xba: {  	s31 =	sshll.u32 s1, $0xD;
	s1 =	sshrl.u32 s1, $0x2  }
0xbb: {  	s3 =	sand.u32 $0x4000, s31;
	s1 =	sadd.s32 s1, s30  }
0xbc: {  	s0 =	sor.u32 s3, s0;
	s1 =	sshll.u32 s1, $0x11  }
0xbd: {  	s0 =	sor.u32 s1, s0  }
0xbe: {  	s0 =	sadd.s32 $0x8F2B, s0  }
0xbf: {  	[sflag:s0] =	ssyncadd.remote.s32 $0x1  }
0xc0: {  	_ =	sfence.sel $0xFFFF  }
0xc1: {  	[dreg:$0x0] =	wrdreg $0xFFFFFFFF;
	(pc) =	sbr.abs _section_cstart, $3  }
0xc2: {  	[dreg:$0x1] =	wrdreg $0xFFFFFFFF  }
0xc3: {  	_ =	task.clear_ibuf [dreg:s8], $0x2FFFF;
	_ =	strace $0x9FFFFFFF  }
0xc4: {  	(tm) =	ssettm $0x7FFFFFFF  }
0xc5: {  	_ =	shalt  }
tec
execute0_lowered:
.L_overlay_start_1:
0x0: {  	(tag) =	ssettag $0x1  }
0x1: {  	s1 =	rddreg [dreg:$0x0]  }
0x2: {  	s5 =	rddreg [dreg:$0x1]  }
0x3: {  	s2 =	rddreg [dreg:$0x2]  }
0x4: {  	s0 =	rddreg [dreg:$0x3];
	s4 =	simm.s32 $0x0;
	s6 =	srdreg.scid  }
0x5: {  	s3 =	stileid.u32;
	s11 =	simm.s32 $0x5;
	s12 =	simm.s32 $0x800  }
0x6: {  	s13 =	simm.s32 $0x1;
	s14 =	simm.s32 $0x4800;
	s15 =	simm.s32 $0x8800  }
0x7: {  	s16 =	simm.s32 $0x2;
	s17 =	simm.s32 $0xC800;
	s18 =	simm.s32 $0x3  }
0x8: {  	s19 =	simm.s32 $0x4;
	s20 =	simm.s32 $0x0;
	s6 =	sand.u32 $0x1, s6  }
0x9: {  	s8 =	sshll.u32 s3, $0x9;
	s7 =	ssub.s32 $0x2, s6;
	s6 =	sshll.u32 s6, $0x8  }
0xa: {  	[smem:$0x7FF] =	sst s4;
	s5 =	sadd.s32 $0x1200, s5;
	s8 =	sor.u32 s6, s8  }
0xb: {  	_ =	strace $0x80000047;
	s9 =	sshrl.u32 s7, $0x1;
	s31 =	sshll.u32 s8, $0x8  }
0xc: {  	s10 =	ssub.s32 s7, s9;
	s7 =	sshrl.u32 s8, $0x3;
	s6 =	sadd.s32 s1, s31  }
0xd: {  	s8 =	sadd.s32 s2, s31;
	s9 =	sor.u32 $0x2, s7;
	s10 =	smax.u32 s10, $0x1  }
.LBB2_1:
0xe: {  	[tilespmem:s4], [sflag:$0x5] =	stream.linear.gather [hbm4b:s5+s4], $0x800, $0x38;
	[tilespmem:$0x10800] =	vst v63  }
0xf: {  	_ =	swait.ge [sflag:s11], $0x800  }
0x10: {  	[sflag:s11] =	ssyncset.done $0x0  }
0x11: {  	s21 =	simm.s32 $0x0;
	[sflag:s11] =	ssyncadd.s32 $0xFFFFF800  }
0x12: {  	[tilespmem:s12], [sflag:$0x1] =	stream.linear.gather [hbm4b:s6+s4], $0x4000, $0x38;
	[tilespmem:$0x10800] =	vst v63  }
.LBB2_2:
0x13: {  	s23 =	sshll.u32 s21, $0x1  }
0x14: {  	s22 =	sadd.s32 s23, s7  }
0x15: {  	_ =	swait.ge [sflag:s13], $0x4000;
	s22 =	sshll.u32 s22, $0xB  }
0x16: {  	[sflag:s13] =	ssyncset.done $0x0;
	s22 =	sadd.s32 $0x800, s22  }
0x17: {  	p0 =	seq.s32 s21, $0x0;
	[sflag:s13] =	ssyncadd.s32 $0xFFFFC000;
	s24 =	sadd.s32 s1, s22  }
0x18: {  	[tilespmem:s14], [sflag:$0x2] =	stream.linear.gather [hbm4b:s24+s4], $0x4000, $0x38;
	[tilespmem:$0x10800] =	vst v63  }
0x19: {  	s24 =	simm.s32 @!p0 $0x3  }
0x1a: {  	_ =	swait.ge @!p0 [sflag:s24], $0x4000  }
0x1b: {  	[sflag:s24] =	ssyncset.done @!p0 $0x0  }
0x1c: {  	s31 =	simm.s32 $0x40;
	[sflag:s24] =	ssyncadd.s32 @!p0 $0xFFFFC000  }
0x1d: {  	v0 =	vld [tilespmem:s31+$0x30];
	_ =	sdelay $0x3  }
0x1e: {  	v1 =	vld [tilespmem:s31+$0xFFFFFFD0]  }
0x1f: {  	v2 =	vshll.u32 v0, $0x3  }
0x20: {  	v3 =	vld [tilespmem:s31+$0xFFFFFFE0];
	v0 =	vand.u32 $0x7F, v0;
	v2 =	vand.u32 $0xFFFFFC00, v2  }
0x21: {  	v5 =	vld [tilespmem:s31+$0xFFFFFFC0];
	v4 =	vor.u32 v0, v2;
	_ =	sdelay $0x1  }
0x22: {  	v2 =	vld [tilespmem:s31+$0xFFFFFFF0];
	v0 =	vshll.u32 v1, $0x3  }
0x23: {  	v7 =	vld [tilespmem:s31+$0x10];
	v1 =	vand.u32 $0x7F, v1;
	v8 =	vand.u32 $0xFFFFFC00, v0  }
0x24: {  	v6 =	vld [tilespmem:s31+$0x0];
	v0 =	vshll.u32 v3, $0x3;
	v1 =	vor.u32 v1, v8  }
0x25: {  	v11 =	vor.u32 $0x80, v4;
	v9 =	vand.u32 $0xFFFFFC00, v0;
	v0 =	vshll.u32 v5, $0x3;
	v10 =	vld.idx.msk [tilespmem:v4+s12+$0x0], $0xffff  }
0x26: {  	v12 =	vld [tilespmem:s31+$0x20];
	v3 =	vand.u32 $0x7F, v3;
	v5 =	vand.u32 $0x7F, v5;
	v0 =	vand.u32 $0xFFFFFC00, v0  }
0x27: {  	v0 =	vor.u32 v5, v0;
	v13 =	vshll.u32 v2, $0x3;
	v8 =	vand.u32 $0x7F, v2  }
0x28: {  	v2 =	vor.u32 v3, v9;
	v9 =	vshll.u32 v7, $0x3;
	v5 =	vand.u32 $0xFFFFFC00, v13  }
0x29: {  	s24 =	simm.s32 $0x8A00;
	v13 =	vshll.u32 v6, $0x3;
	v3 =	vor.u32 v8, v5;
	v5 =	vand.u32 $0xFFFFFC00, v9;
	v9 =	vld.idx.msk [tilespmem:v1+s12+$0x0], $0xffff  }
0x2a: {  	v15 =	vor.u32 $0x80, v1;
	v6 =	vand.u32 $0x7F, v6;
	v13 =	vand.u32 $0xFFFFFC00, v13;
	[tilespmem:s24+$0xFFFFFE70] =	vst v10  }
0x2b: {  	v7 =	vand.u32 $0x7F, v7;
	v8 =	vshll.u32 v12, $0x3;
	v10 =	vor.u32 v6, v13;
	v6 =	vld.idx.msk [tilespmem:v11+s12+$0x0], $0xffff  }
0x2c: {  	v11 =	vor.u32 v7, v5;
	v5 =	vld.idx.msk [tilespmem:v0+s12+$0x0], $0xffff;
	v7 =	vand.u32 $0xFFFFFC00, v8;
	v8 =	vand.u32 $0x7F, v12  }
0x2d: {  	v13 =	vor.u32 $0x100, v4;
	v12 =	vor.u32 v8, v7;
	v7 =	vld.idx.msk [tilespmem:v2+s12+$0x0], $0xffff  }
0x2e: {  	v8 =	vor.u32 $0x80, v0;
	v14 =	vld.idx.msk [tilespmem:v3+s12+$0x0], $0xffff;
	[tilespmem:s24+$0xFFFFFE10] =	vst v9  }
0x2f: {  	v15 =	vld.idx.msk [tilespmem:v15+s12+$0x0], $0xffff  }
0x30: {  	v17 =	vor.u32 $0x80, v2;
	v16 =	vld.idx.msk [tilespmem:v10+s12+$0x0], $0xffff  }
0x31: {  	v18 =	vld.idx.msk [tilespmem:v11+s12+$0x0], $0xffff;
	[tilespmem:s24+$0xFFFFFEF0] =	vst v6;
	v6 =	vor.u32 $0x80, v3  }
0x32: {  	[tilespmem:s24+$0xFFFFFE00] =	vst v5;
	v5 =	vld.idx.msk [tilespmem:v13+s12+$0x0], $0xffff;
	v13 =	vor.u32 $0x80, v10  }
0x33: {  	v19 =	vor.u32 $0x80, v11;
	v8 =	vld.idx.msk [tilespmem:v8+s12+$0x0], $0xffff;
	[tilespmem:s24+$0xFFFFFE20] =	vst v7  }
0x34: {  	v9 =	vld.idx.msk [tilespmem:v12+s12+$0x0], $0xffff;
	v7 =	vor.u32 $0x180, v4;
	[tilespmem:s24+$0xFFFFFE30] =	vst v14  }
0x35: {  	v14 =	vor.u32 $0x80, v12;
	v17 =	vld.idx.msk [tilespmem:v17+s12+$0x0], $0xffff;
	[tilespmem:s24+$0xFFFFFE40] =	vst v16  }
0x36: {  	v16 =	vor.u32 $0x100, v0;
	v6 =	vld.idx.msk [tilespmem:v6+s12+$0x0], $0xffff;
	[tilespmem:s24+$0xFFFFFE50] =	vst v18  }
0x37: {  	v18 =	vor.u32 $0x100, v1;
	v13 =	vld.idx.msk [tilespmem:v13+s12+$0x0], $0xffff;
	[tilespmem:s24+$0xFFFFFF70] =	vst v5  }
0x38: {  	v5 =	vor.u32 $0x100, v2;
	[tilespmem:s24+$0xFFFFFE80] =	vst v8;
	v8 =	vld.idx.msk [tilespmem:v19+s12+$0x0], $0xffff  }
0x39: {  	[tilespmem:s24+$0xFFFFFE60] =	vst v9;
	v9 =	vor.u32 $0x100, v3;
	v7 =	vld.idx.msk [tilespmem:v7+s12+$0x0], $0xffff  }
0x3a: {  	[tilespmem:s24+$0xFFFFFE90] =	vst v15;
	v19 =	vor.u32 $0x100, v10;
	v14 =	vld.idx.msk [tilespmem:v14+s12+$0x0], $0xffff  }
0x3b: {  	[tilespmem:s24+$0xFFFFFEA0] =	vst v17;
	v17 =	vor.u32 $0x100, v11;
	v16 =	vld.idx.msk [tilespmem:v16+s12+$0x0], $0xffff  }
0x3c: {  	v15 =	vor.u32 $0x200, v4;
	v18 =	vld.idx.msk [tilespmem:v18+s12+$0x0], $0xffff;
	[tilespmem:s24+$0xFFFFFEB0] =	vst v6  }
0x3d: {  	v6 =	vor.u32 $0x100, v12;
	v5 =	vld.idx.msk [tilespmem:v5+s12+$0x0], $0xffff;
	[tilespmem:s24+$0xFFFFFEC0] =	vst v13  }
0x3e: {  	v13 =	vor.u32 $0x180, v0;
	v9 =	vld.idx.msk [tilespmem:v9+s12+$0x0], $0xffff;
	[tilespmem:s24+$0xFFFFFED0] =	vst v8  }
0x3f: {  	[tilespmem:s24+$0xFFFFFFF0] =	vst v7;
	v7 =	vor.u32 $0x180, v1;
	v19 =	vld.idx.msk [tilespmem:v19+s12+$0x0], $0xffff  }
0x40: {  	[tilespmem:s24+$0xFFFFFEE0] =	vst v14;
	v14 =	vld.idx.msk [tilespmem:v17+s12+$0x0], $0xffff;
	v17 =	vor.u32 $0x180, v3  }
0x41: {  	v8 =	vld.idx.msk [tilespmem:v15+s12+$0x0], $0xffff;
	v15 =	vor.u32 $0x180, v2;
	[tilespmem:s24+$0xFFFFFF00] =	vst v16  }
0x42: {  	v16 =	vor.u32 $0x280, v4;
	[tilespmem:s24+$0xFFFFFF10] =	vst v18;
	v6 =	vld.idx.msk [tilespmem:v6+s12+$0x0], $0xffff  }
0x43: {  	v18 =	vor.u32 $0x180, v10;
	v13 =	vld.idx.msk [tilespmem:v13+s12+$0x0], $0xffff;
	[tilespmem:s24+$0xFFFFFF20] =	vst v5  }
0x44: {  	v5 =	vor.u32 $0x180, v11;
	[tilespmem:s24+$0xFFFFFF30] =	vst v9;
	v7 =	vld.idx.msk [tilespmem:v7+s12+$0x0], $0xffff  }
0x45: {  	v9 =	vor.u32 $0x180, v12;
	[tilespmem:s24+$0xFFFFFF40] =	vst v19;
	v17 =	vld.idx.msk [tilespmem:v17+s12+$0x0], $0xffff  }
0x46: {  	v15 =	vld.idx.msk [tilespmem:v15+s12+$0x0], $0xffff;
	[tilespmem:s24+$0x70] =	vst v8;
	v8 =	vor.u32 $0x200, v0  }
0x47: {  	v19 =	vor.u32 $0x200, v1;
	[tilespmem:s24+$0xFFFFFF50] =	vst v14;
	v16 =	vld.idx.msk [tilespmem:v16+s12+$0x0], $0xffff  }
0x48: {  	v14 =	vld.idx.msk [tilespmem:v18+s12+$0x0], $0xffff;
	[tilespmem:s24+$0xFFFFFF60] =	vst v6;
	v6 =	vor.u32 $0x300, v4  }
0x49: {  	v18 =	vor.u32 $0x200, v2;
	[tilespmem:s24+$0xFFFFFF80] =	vst v13;
	v5 =	vld.idx.msk [tilespmem:v5+s12+$0x0], $0xffff  }
0x4a: {  	v13 =	vor.u32 $0x200, v3;
	[tilespmem:s24+$0xFFFFFF90] =	vst v7;
	v7 =	vld.idx.msk [tilespmem:v9+s12+$0x0], $0xffff  }
0x4b: {  	v9 =	vor.u32 $0x200, v10;
	v8 =	vld.idx.msk [tilespmem:v8+s12+$0x0], $0xffff;
	[tilespmem:s24+$0xFFFFFFA0] =	vst v15  }
0x4c: {  	v15 =	vor.u32 $0x200, v11;
	v19 =	vld.idx.msk [tilespmem:v19+s12+$0x0], $0xffff;
	[tilespmem:s24+$0xF0] =	vst v16  }
0x4d: {  	[tilespmem:s24+$0xFFFFFFB0] =	vst v17;
	v16 =	vor.u32 $0x200, v12;
	v6 =	vld.idx.msk [tilespmem:v6+s12+$0x0], $0xffff  }
0x4e: {  	v17 =	vor.u32 $0x280, v0;
	v18 =	vld.idx.msk [tilespmem:v18+s12+$0x0], $0xffff;
	[tilespmem:s24+$0xFFFFFFC0] =	vst v14  }
0x4f: {  	v4 =	vor.u32 $0x380, v4;
	v13 =	vld.idx.msk [tilespmem:v13+s12+$0x0], $0xffff;
	[tilespmem:s24+$0xFFFFFFD0] =	vst v5  }
0x50: {  	v5 =	vor.u32 $0x280, v1;
	v9 =	vld.idx.msk [tilespmem:v9+s12+$0x0], $0xffff;
	[tilespmem:s24+$0xFFFFFFE0] =	vst v7  }
0x51: {  	v7 =	vor.u32 $0x280, v2;
	[tilespmem:s24+$0x0] =	vst v8;
	v8 =	vld.idx.msk [tilespmem:v15+s12+$0x0], $0xffff  }
0x52: {  	v14 =	vor.u32 $0x280, v3;
	[tilespmem:s24+$0x10] =	vst v19;
	v15 =	vld.idx.msk [tilespmem:v16+s12+$0x0], $0xffff  }
0x53: {  	v16 =	vor.u32 $0x280, v10;
	v17 =	vld.idx.msk [tilespmem:v17+s12+$0x0], $0xffff;
	[tilespmem:s24+$0x170] =	vst v6  }
0x54: {  	v6 =	vor.u32 $0x280, v11;
	[tilespmem:s24+$0x20] =	vst v18;
	v4 =	vld.idx.msk [tilespmem:v4+s12+$0x0], $0xffff  }
0x55: {  	v18 =	vor.u32 $0x280, v12;
	v5 =	vld.idx.msk [tilespmem:v5+s12+$0x0], $0xffff;
	[tilespmem:s24+$0x30] =	vst v13  }
0x56: {  	v13 =	vor.u32 $0x300, v0;
	v7 =	vld.idx.msk [tilespmem:v7+s12+$0x0], $0xffff;
	[tilespmem:s24+$0x40] =	vst v9  }
0x57: {  	v9 =	vor.u32 $0x300, v1;
	v19 =	vld.idx.msk [tilespmem:v14+s12+$0x0], $0xffff;
	[tilespmem:s24+$0x50] =	vst v8  }
0x58: {  	v20 =	vor.u32 $0x300, v2;
	v21 =	vld.idx.msk [tilespmem:v16+s12+$0x0], $0xffff;
	[tilespmem:s24+$0x60] =	vst v15  }
0x59: {  	v22 =	vor.u32 $0x300, v3;
	[tilespmem:s24+$0x80] =	vst v17;
	v17 =	vld.idx.msk [tilespmem:v6+s12+$0x0], $0xffff  }
0x5a: {  	v23 =	vor.u32 $0x300, v10;
	v15 =	vld.idx.msk [tilespmem:v18+s12+$0x0], $0xffff;
	[tilespmem:s24+$0x1F0] =	vst v4  }
0x5b: {  	v14 =	vld.idx.msk [tilespmem:v13+s12+$0x0], $0xffff;
	[tilespmem:s24+$0x90] =	vst v5  }
0x5c: {  	v13 =	vld.idx.msk [tilespmem:v9+s12+$0x0], $0xffff;
	[tilespmem:s24+$0xA0] =	vst v7  }
0x5d: {  	v8 =	vor.u32 $0x300, v11;
	v6 =	vor.u32 $0x380, v1;
	v1 =	vor.u32 $0x380, v11;
	[tilespmem:s24+$0xB0] =	vst v19;
	v16 =	vld.idx.msk [tilespmem:v20+s12+$0x0], $0xffff  }
0x5e: {  	v5 =	vor.u32 $0x380, v2;
	v4 =	vor.u32 $0x380, v3;
	v2 =	vor.u32 $0x380, v10;
	v3 =	vld.idx.msk [tilespmem:v22+s12+$0x0], $0xffff;
	[tilespmem:s24+$0xC0] =	vst v21  }
0x5f: {  	s26 =	simm.s32 $0x0;
	s28 =	simm.s32 $0xC0;
	s25 =	simm.s32 $0x8A00;
	v7 =	vor.u32 $0x380, v0;
	v9 =	vor.u32 $0x300, v12;
	v0 =	vor.u32 $0x380, v12;
	v10 =	vld.idx.msk [tilespmem:v23+s12+$0x0], $0xffff;
	[tilespmem:s24+$0xD0] =	vst v17  }
.LBB2_3:
0x60: {  	v11 =	vld [tilespmem:s28+$0x30];
	s26 =	sadd.s32 $0x8, s26;
	[tilespmem:s24+$0xE0] =	vst v15  }
0x61: {  	v12 =	vld [tilespmem:s28+$0xFFFFFFD0];
	p0 =	slt.u32 s26, $0x78;
	[tilespmem:s24+$0x100] =	vst v14  }
0x62: {  	v14 =	vld [tilespmem:s28+$0xFFFFFFE0];
	[tilespmem:s24+$0x110] =	vst v13  }
0x63: {  	v13 =	vld [tilespmem:s28+$0xFFFFFFF0];
	[tilespmem:s24+$0x120] =	vst v16  }
0x64: {  	v15 =	vld [tilespmem:s28+$0x0];
	[tilespmem:s24+$0x130] =	vst v3  }
0x65: {  	v16 =	vld [tilespmem:s28+$0x10];
	v3 =	vshll.u32 v11, $0x3;
	[tilespmem:s24+$0x140] =	vst v10  }
0x66: {  	v11 =	vand.u32 $0x7F, v11;
	v10 =	vshll.u32 v12, $0x3;
	v17 =	vld [tilespmem:s28+$0x20];
	v3 =	vand.u32 $0xFFFFFC00, v3  }
0x67: {  	v18 =	vld [tilespmem:s28+$0xFFFFFFC0];
	v10 =	vand.u32 $0xFFFFFC00, v10;
	v19 =	vshll.u32 v14, $0x3;
	v3 =	vor.u32 v11, v3  }
0x68: {  	v11 =	vand.u32 $0x7F, v12;
	v12 =	vand.u32 $0xFFFFFC00, v19;
	v19 =	vshll.u32 v13, $0x3;
	v8 =	vld.idx.msk [tilespmem:v8+s12+$0x0], $0xffff  }
0x69: {  	v14 =	vand.u32 $0x7F, v14;
	v19 =	vand.u32 $0xFFFFFC00, v19;
	v20 =	vshll.u32 v15, $0x3;
	v9 =	vld.idx.msk [tilespmem:v9+s12+$0x0], $0xffff  }
0x6a: {  	v13 =	vand.u32 $0x7F, v13;
	v20 =	vand.u32 $0xFFFFFC00, v20;
	v21 =	vshll.u32 v16, $0x3;
	v7 =	vld.idx.msk [tilespmem:v7+s12+$0x0], $0xffff  }
0x6b: {  	v15 =	vand.u32 $0x7F, v15;
	v21 =	vand.u32 $0xFFFFFC00, v21;
	v22 =	vshll.u32 v17, $0x3;
	v6 =	vld.idx.msk [tilespmem:v6+s12+$0x0], $0xffff  }
0x6c: {  	v23 =	vand.u32 $0x7F, v18;
	v18 =	vshll.u32 v18, $0x3;
	v22 =	vand.u32 $0xFFFFFC00, v22;
	v24 =	vld.idx.msk [tilespmem:v3+s12+$0x0], $0xffff  }
0x6d: {  	v16 =	vand.u32 $0x7F, v16;
	v17 =	vand.u32 $0x7F, v17;
	v18 =	vand.u32 $0xFFFFFC00, v18;
	v5 =	vld.idx.msk [tilespmem:v5+s12+$0x0], $0xffff  }
0x6e: {  	v25 =	vor.u32 v11, v10;
	v10 =	vor.u32 $0x80, v3;
	v23 =	vor.u32 v23, v18;
	v4 =	vld.idx.msk [tilespmem:v4+s12+$0x0], $0xffff;
	[tilespmem:s24+$0x150] =	vst v8  }
0x6f: {  	v26 =	vor.u32 v14, v12;
	v27 =	vor.u32 v13, v19;
	v28 =	vor.u32 v15, v20;
	[tilespmem:s24+$0x160] =	vst v9  }
0x70: {  	v21 =	vor.u32 v16, v21;
	v22 =	vor.u32 v17, v22;
	v8 =	vor.u32 $0x80, v23;
	[tilespmem:s24+$0x180] =	vst v7;
	v2 =	vld.idx.msk [tilespmem:v2+s12+$0x0], $0xffff  }
0x71: {  	v29 =	vor.u32 $0x80, v27;
	v9 =	vor.u32 $0x80, v26;
	v7 =	vor.u32 $0x80, v25;
	s24 =	sadd.s32 $0x400, s24;
	[tilespmem:s25+$0x190] =	vst v6;
	v1 =	vld.idx.msk [tilespmem:v1+s12+$0x0], $0xffff  }
0x72: {  	v30 =	vor.u32 $0x80, v28;
	v31 =	vor.u32 $0x80, v21;
	v32 =	vor.u32 $0x80, v22;
	[tilespmem:s24+$0xFFFFFE70] =	vst v24;
	v0 =	vld.idx.msk [tilespmem:v0+s12+$0x0], $0xffff  }
0x73: {  	v33 =	vor.u32 $0x100, v25;
	v34 =	vor.u32 $0x100, v26;
	v24 =	vor.u32 $0x100, v23;
	v6 =	vld.idx.msk [tilespmem:v10+s12+$0x0], $0xffff;
	[tilespmem:s25+$0x1A0] =	vst v5  }
0x74: {  	v35 =	vor.u32 $0x100, v27;
	v36 =	vor.u32 $0x100, v28;
	v37 =	vor.u32 $0x100, v21;
	v5 =	vld.idx.msk [tilespmem:v23+s12+$0x0], $0xffff;
	[tilespmem:s25+$0x1B0] =	vst v4  }
0x75: {  	v39 =	vor.u32 $0x100, v22;
	v38 =	vor.u32 $0x180, v23;
	v10 =	vor.u32 $0x100, v3;
	v4 =	vld.idx.msk [tilespmem:v25+s12+$0x0], $0xffff  }
0x76: {  	v40 =	vor.u32 $0x180, v25;
	v41 =	vor.u32 $0x180, v26;
	v42 =	vor.u32 $0x180, v27;
	v11 =	vld.idx.msk [tilespmem:v26+s12+$0x0], $0xffff;
	[tilespmem:s25+$0x1C0] =	vst v2  }
0x77: {  	v43 =	vor.u32 $0x180, v28;
	v44 =	vor.u32 $0x180, v21;
	v45 =	vor.u32 $0x180, v22;
	v2 =	vld.idx.msk [tilespmem:v27+s12+$0x0], $0xffff;
	[tilespmem:s25+$0x1D0] =	vst v1  }
0x78: {  	v47 =	vor.u32 $0x200, v25;
	v48 =	vor.u32 $0x200, v26;
	v46 =	vor.u32 $0x200, v23;
	v1 =	vld.idx.msk [tilespmem:v28+s12+$0x0], $0xffff;
	[tilespmem:s25+$0x1E0] =	vst v0;
	s25 =	smov.u32 s24  }
0x79: {  	v49 =	vor.u32 $0x200, v27;
	v50 =	vor.u32 $0x200, v28;
	v51 =	vor.u32 $0x200, v21;
	v0 =	vld.idx.msk [tilespmem:v21+s12+$0x0], $0xffff;
	[tilespmem:s24+$0xFFFFFEF0] =	vst v6  }
0x7a: {  	v18 =	vor.u32 $0x280, v25;
	v53 =	vor.u32 $0x200, v22;
	v52 =	vor.u32 $0x280, v23;
	[tilespmem:s24+$0xFFFFFE00] =	vst v5;
	v54 =	vld.idx.msk [tilespmem:v10+s12+$0x0], $0xffff  }
0x7b: {  	v20 =	vor.u32 $0x280, v26;
	v19 =	vor.u32 $0x280, v27;
	v15 =	vor.u32 $0x280, v28;
	[tilespmem:s24+$0xFFFFFE10] =	vst v4;
	v55 =	vld.idx.msk [tilespmem:v22+s12+$0x0], $0xffff  }
0x7c: {  	v57 =	vor.u32 $0x180, v3;
	v17 =	vor.u32 $0x280, v21;
	v16 =	vor.u32 $0x280, v22;
	v56 =	vld.idx.msk [tilespmem:v8+s12+$0x0], $0xffff;
	[tilespmem:s24+$0xFFFFFE20] =	vst v11  }
0x7d: {  	v13 =	vor.u32 $0x300, v25;
	v14 =	vor.u32 $0x300, v23;
	v10 =	vor.u32 $0x300, v26;
	v58 =	vld.idx.msk [tilespmem:v7+s12+$0x0], $0xffff;
	[tilespmem:s24+$0xFFFFFE30] =	vst v2  }
0x7e: {  	v12 =	vor.u32 $0x300, v27;
	v11 =	vor.u32 $0x300, v28;
	v8 =	vor.u32 $0x300, v21;
	v59 =	vld.idx.msk [tilespmem:v9+s12+$0x0], $0xffff;
	[tilespmem:s24+$0xFFFFFE40] =	vst v1  }
0x7f: {  	v6 =	vor.u32 $0x380, v25;
	v7 =	vor.u32 $0x380, v23;
	v9 =	vor.u32 $0x300, v22;
	v23 =	vld.idx.msk [tilespmem:v29+s12+$0x0], $0xffff;
	[tilespmem:s24+$0xFFFFFE50] =	vst v0  }
0x80: {  	v5 =	vor.u32 $0x380, v26;
	v4 =	vor.u32 $0x380, v27;
	v2 =	vor.u32 $0x380, v28;
	v25 =	vld.idx.msk [tilespmem:v30+s12+$0x0], $0xffff;
	[tilespmem:s24+$0xFFFFFF70] =	vst v54  }
0x81: {  	v1 =	vor.u32 $0x380, v21;
	v0 =	vor.u32 $0x380, v22;
	[tilespmem:s24+$0xFFFFFE60] =	vst v55;
	v21 =	vld.idx.msk [tilespmem:v57+s12+$0x0], $0xffff  }
0x82: {  	[tilespmem:s24+$0xFFFFFE80] =	vst v56;
	v22 =	vld.idx.msk [tilespmem:v31+s12+$0x0], $0xffff  }
0x83: {  	v27 =	vor.u32 $0x200, v3;
	[tilespmem:s24+$0xFFFFFE90] =	vst v58;
	v26 =	vld.idx.msk [tilespmem:v32+s12+$0x0], $0xffff  }
0x84: {  	v24 =	vld.idx.msk [tilespmem:v24+s12+$0x0], $0xffff;
	[tilespmem:s24+$0xFFFFFEA0] =	vst v59  }
0x85: {  	v28 =	vld.idx.msk [tilespmem:v33+s12+$0x0], $0xffff;
	[tilespmem:s24+$0xFFFFFEB0] =	vst v23  }
0x86: {  	v23 =	vld.idx.msk [tilespmem:v34+s12+$0x0], $0xffff;
	[tilespmem:s24+$0xFFFFFEC0] =	vst v25  }
0x87: {  	v25 =	vld.idx.msk [tilespmem:v35+s12+$0x0], $0xffff;
	[tilespmem:s24+$0xFFFFFFF0] =	vst v21  }
0x88: {  	[tilespmem:s24+$0xFFFFFED0] =	vst v22;
	v21 =	vld.idx.msk [tilespmem:v27+s12+$0x0], $0xffff  }
0x89: {  	v22 =	vld.idx.msk [tilespmem:v36+s12+$0x0], $0xffff;
	[tilespmem:s24+$0xFFFFFEE0] =	vst v26  }
0x8a: {  	v26 =	vor.u32 $0x280, v3;
	[tilespmem:s24+$0xFFFFFF00] =	vst v24;
	v24 =	vld.idx.msk [tilespmem:v37+s12+$0x0], $0xffff  }
0x8b: {  	[tilespmem:s24+$0xFFFFFF10] =	vst v28;
	v27 =	vld.idx.msk [tilespmem:v39+s12+$0x0], $0xffff  }
0x8c: {  	v28 =	vld.idx.msk [tilespmem:v38+s12+$0x0], $0xffff;
	[tilespmem:s24+$0xFFFFFF20] =	vst v23  }
0x8d: {  	v23 =	vld.idx.msk [tilespmem:v40+s12+$0x0], $0xffff;
	[tilespmem:s24+$0xFFFFFF30] =	vst v25  }
0x8e: {  	v25 =	vld.idx.msk [tilespmem:v41+s12+$0x0], $0xffff;
	[tilespmem:s24+$0x70] =	vst v21  }
0x8f: {  	[tilespmem:s24+$0xFFFFFF40] =	vst v22;
	v21 =	vld.idx.msk [tilespmem:v26+s12+$0x0], $0xffff  }
0x90: {  	v22 =	vld.idx.msk [tilespmem:v42+s12+$0x0], $0xffff;
	[tilespmem:s24+$0xFFFFFF50] =	vst v24  }
0x91: {  	v26 =	vor.u32 $0x300, v3;
	v24 =	vld.idx.msk [tilespmem:v43+s12+$0x0], $0xffff;
	[tilespmem:s24+$0xFFFFFF60] =	vst v27  }
0x92: {  	[tilespmem:s24+$0xFFFFFF80] =	vst v28;
	v27 =	vld.idx.msk [tilespmem:v44+s12+$0x0], $0xffff  }
0x93: {  	[tilespmem:s24+$0xFFFFFF90] =	vst v23;
	v23 =	vld.idx.msk [tilespmem:v45+s12+$0x0], $0xffff  }
0x94: {  	v28 =	vld.idx.msk [tilespmem:v46+s12+$0x0], $0xffff;
	[tilespmem:s24+$0xFFFFFFA0] =	vst v25  }
0x95: {  	v25 =	vld.idx.msk [tilespmem:v47+s12+$0x0], $0xffff;
	[tilespmem:s24+$0xF0] =	vst v21  }
0x96: {  	[tilespmem:s24+$0xFFFFFFB0] =	vst v22;
	v21 =	vld.idx.msk [tilespmem:v26+s12+$0x0], $0xffff  }
0x97: {  	v22 =	vld.idx.msk [tilespmem:v48+s12+$0x0], $0xffff;
	[tilespmem:s24+$0xFFFFFFC0] =	vst v24  }
0x98: {  	v3 =	vor.u32 $0x380, v3;
	v24 =	vld.idx.msk [tilespmem:v49+s12+$0x0], $0xffff;
	[tilespmem:s24+$0xFFFFFFD0] =	vst v27  }
0x99: {  	v26 =	vld.idx.msk [tilespmem:v50+s12+$0x0], $0xffff;
	[tilespmem:s24+$0xFFFFFFE0] =	vst v23  }
0x9a: {  	[tilespmem:s24+$0x0] =	vst v28;
	v23 =	vld.idx.msk [tilespmem:v51+s12+$0x0], $0xffff  }
0x9b: {  	[tilespmem:s24+$0x10] =	vst v25;
	v25 =	vld.idx.msk [tilespmem:v53+s12+$0x0], $0xffff  }
0x9c: {  	v27 =	vld.idx.msk [tilespmem:v52+s12+$0x0], $0xffff;
	[tilespmem:s24+$0x170] =	vst v21  }
0x9d: {  	[tilespmem:s24+$0x20] =	vst v22;
	v3 =	vld.idx.msk [tilespmem:v3+s12+$0x0], $0xffff  }
0x9e: {  	v18 =	vld.idx.msk [tilespmem:v18+s12+$0x0], $0xffff;
	[tilespmem:s24+$0x30] =	vst v24  }
0x9f: {  	v20 =	vld.idx.msk [tilespmem:v20+s12+$0x0], $0xffff;
	[tilespmem:s24+$0x40] =	vst v26  }
0xa0: {  	v19 =	vld.idx.msk [tilespmem:v19+s12+$0x0], $0xffff;
	[tilespmem:s24+$0x50] =	vst v23  }
0xa1: {  	v21 =	vld.idx.msk [tilespmem:v15+s12+$0x0], $0xffff;
	[tilespmem:s24+$0x60] =	vst v25  }
0xa2: {  	[tilespmem:s24+$0x80] =	vst v27;
	v17 =	vld.idx.msk [tilespmem:v17+s12+$0x0], $0xffff  }
0xa3: {  	v15 =	vld.idx.msk [tilespmem:v16+s12+$0x0], $0xffff;
	[tilespmem:s24+$0x1F0] =	vst v3  }
.Ltmp0:
0xa4: {  	v14 =	vld.idx.msk [tilespmem:v14+s12+$0x0], $0xffff;
	[tilespmem:s24+$0x90] =	vst v18;
	(pc) =	sbr.rel @p0 .LBB2_3-.Ltmp0, $4  }
0xa5: {  	v13 =	vld.idx.msk [tilespmem:v13+s12+$0x0], $0xffff;
	[tilespmem:s24+$0xA0] =	vst v20  }
0xa6: {  	v16 =	vld.idx.msk [tilespmem:v10+s12+$0x0], $0xffff;
	[tilespmem:s24+$0xB0] =	vst v19  }
0xa7: {  	v3 =	vld.idx.msk [tilespmem:v12+s12+$0x0], $0xffff;
	[tilespmem:s24+$0xC0] =	vst v21  }
0xa8: {  	s28 =	sadd.s32 $0x80, s28;
	v10 =	vld.idx.msk [tilespmem:v11+s12+$0x0], $0xffff;
	[tilespmem:s24+$0xD0] =	vst v17  }
0xa9: {  	_ =	sdelay $0x2  }
0xaa: {  	[tilespmem:s24+$0xE0] =	vst v15  }
0xab: {  	[tilespmem:s24+$0x100] =	vst v14;
	v8 =	vld.idx.msk [tilespmem:v8+s12+$0x0], $0xffff  }
0xac: {  	[tilespmem:s24+$0x110] =	vst v13;
	v9 =	vld.idx.msk [tilespmem:v9+s12+$0x0], $0xffff  }
0xad: {  	v7 =	vld.idx.msk [tilespmem:v7+s12+$0x0], $0xffff;
	[tilespmem:s24+$0x120] =	vst v16  }
0xae: {  	[tilespmem:s24+$0x130] =	vst v3;
	v3 =	vld.idx.msk [tilespmem:v6+s12+$0x0], $0xffff  }
0xaf: {  	v5 =	vld.idx.msk [tilespmem:v5+s12+$0x0], $0xffff;
	[tilespmem:s24+$0x140] =	vst v10  }
0xb0: {  	v4 =	vld.idx.msk [tilespmem:v4+s12+$0x0], $0xffff;
	[tilespmem:s24+$0x150] =	vst v8  }
0xb1: {  	v2 =	vld.idx.msk [tilespmem:v2+s12+$0x0], $0xffff;
	[tilespmem:s24+$0x160] =	vst v9  }
0xb2: {  	[tilespmem:s24+$0x180] =	vst v7;
	v1 =	vld.idx.msk [tilespmem:v1+s12+$0x0], $0xffff  }
0xb3: {  	v0 =	vld.idx.msk [tilespmem:v0+s12+$0x0], $0xffff;
	[tilespmem:s25+$0x190] =	vst v3  }
0xb4: {  	[tilespmem:s25+$0x1A0] =	vst v5  }
0xb5: {  	[tilespmem:s25+$0x1B0] =	vst v4  }
0xb6: {  	p0 =	seq.s32 s21, $0xF;
	[tilespmem:s25+$0x1C0] =	vst v2  }
0xb7: {  	s30 =	sshll.u32 s21, $0xC;
	s23 =	sadd.s32 @!p0 s23, s9;
	[tilespmem:s25+$0x1D0] =	vst v1  }
0xb8: {  	s23 =	sshll.u32 @!p0 s23, $0xB;
	s24 =	sadd.s32 s30, s8;
	[tilespmem:s25+$0x1E0] =	vst v0  }
0xb9: {  	[hbm4b:s24+s4] =	stream.linear.scatter [tilespmem:s15], [sflag:$0x3], $0x4000, $0x38;
	[tilespmem:$0x10800] =	vst v63  }
0xba: {  	s23 =	sand.u32 @!p0 $0x1FFFF000, s23;
	_ =	swait.ge [sflag:s16], $0x4000  }
0xbb: {  	p1 =	seq.s32 @!p0 s21, $0x0;
	s23 =	sadd.s32 @!p0 s1, s23;
	[sflag:s16] =	ssyncset.done $0x0  }
0xbc: {  	s25 =	simm.s32 @!p0 $0x800;
	s24 =	simm.s32 @!p0 $0x0;
	[sflag:s16] =	ssyncadd.s32 $0xFFFFC000  }
0xbd: {  	[tilespmem:s25], [sflag:$0x1] =	stream.linear.gather @!p0 [hbm4b:s23+s24], $0x4000, $0x38;
	[tilespmem:$0x10800] =	vst v63  }
0xbe: {  	p0 =	por p0, !p1  }
0xbf: {  	_ =	swait.ge @p0 [sflag:s19], $0x4000  }
0xc0: {  	[sflag:s19] =	ssyncset.done @p0 $0x0  }
0xc1: {  	s31 =	simm.s32 $0x40;
	[sflag:s19] =	ssyncadd.s32 @p0 $0xFFFFC000  }
0xc2: {  	v0 =	vld [tilespmem:s31+$0x30];
	_ =	sdelay $0x3  }
0xc3: {  	v1 =	vld [tilespmem:s31+$0xFFFFFFD0]  }
0xc4: {  	v2 =	vshll.u32 v0, $0x3  }
0xc5: {  	v3 =	vld [tilespmem:s31+$0xFFFFFFE0];
	v0 =	vand.u32 $0x7F, v0;
	v2 =	vand.u32 $0xFFFFFC00, v2  }
0xc6: {  	v5 =	vld [tilespmem:s31+$0xFFFFFFC0];
	v4 =	vor.u32 v0, v2;
	_ =	sdelay $0x1  }
0xc7: {  	v2 =	vld [tilespmem:s31+$0xFFFFFFF0];
	v0 =	vshll.u32 v1, $0x3  }
0xc8: {  	v7 =	vld [tilespmem:s31+$0x10];
	v1 =	vand.u32 $0x7F, v1;
	v8 =	vand.u32 $0xFFFFFC00, v0  }
0xc9: {  	v6 =	vld [tilespmem:s31+$0x0];
	v0 =	vshll.u32 v3, $0x3;
	v1 =	vor.u32 v1, v8  }
0xca: {  	v11 =	vor.u32 $0x80, v4;
	v9 =	vand.u32 $0xFFFFFC00, v0;
	v0 =	vshll.u32 v5, $0x3;
	v10 =	vld.idx.msk [tilespmem:v4+s14+$0x0], $0xffff  }
0xcb: {  	v12 =	vld [tilespmem:s31+$0x20];
	v3 =	vand.u32 $0x7F, v3;
	v5 =	vand.u32 $0x7F, v5;
	v0 =	vand.u32 $0xFFFFFC00, v0  }
0xcc: {  	v0 =	vor.u32 v5, v0;
	v13 =	vshll.u32 v2, $0x3;
	v8 =	vand.u32 $0x7F, v2  }
0xcd: {  	v2 =	vor.u32 v3, v9;
	v9 =	vshll.u32 v7, $0x3;
	v5 =	vand.u32 $0xFFFFFC00, v13  }
0xce: {  	s23 =	simm.s32 $0xCA00;
	v13 =	vshll.u32 v6, $0x3;
	v3 =	vor.u32 v8, v5;
	v5 =	vand.u32 $0xFFFFFC00, v9;
	v9 =	vld.idx.msk [tilespmem:v1+s14+$0x0], $0xffff  }
0xcf: {  	v15 =	vor.u32 $0x80, v1;
	v6 =	vand.u32 $0x7F, v6;
	v13 =	vand.u32 $0xFFFFFC00, v13;
	[tilespmem:s23+$0xFFFFFE70] =	vst v10  }
0xd0: {  	v7 =	vand.u32 $0x7F, v7;
	v8 =	vshll.u32 v12, $0x3;
	v10 =	vor.u32 v6, v13;
	v6 =	vld.idx.msk [tilespmem:v11+s14+$0x0], $0xffff  }
0xd1: {  	v11 =	vor.u32 v7, v5;
	v5 =	vld.idx.msk [tilespmem:v0+s14+$0x0], $0xffff;
	v7 =	vand.u32 $0xFFFFFC00, v8;
	v8 =	vand.u32 $0x7F, v12  }
0xd2: {  	v13 =	vor.u32 $0x100, v4;
	v12 =	vor.u32 v8, v7;
	v7 =	vld.idx.msk [tilespmem:v2+s14+$0x0], $0xffff  }
0xd3: {  	v8 =	vor.u32 $0x80, v0;
	v14 =	vld.idx.msk [tilespmem:v3+s14+$0x0], $0xffff;
	[tilespmem:s23+$0xFFFFFE10] =	vst v9  }
0xd4: {  	v15 =	vld.idx.msk [tilespmem:v15+s14+$0x0], $0xffff  }
0xd5: {  	v17 =	vor.u32 $0x80, v2;
	v16 =	vld.idx.msk [tilespmem:v10+s14+$0x0], $0xffff  }
0xd6: {  	v18 =	vld.idx.msk [tilespmem:v11+s14+$0x0], $0xffff;
	[tilespmem:s23+$0xFFFFFEF0] =	vst v6;
	v6 =	vor.u32 $0x80, v3  }
0xd7: {  	[tilespmem:s23+$0xFFFFFE00] =	vst v5;
	v5 =	vld.idx.msk [tilespmem:v13+s14+$0x0], $0xffff;
	v13 =	vor.u32 $0x80, v10  }
0xd8: {  	v19 =	vor.u32 $0x80, v11;
	v8 =	vld.idx.msk [tilespmem:v8+s14+$0x0], $0xffff;
	[tilespmem:s23+$0xFFFFFE20] =	vst v7  }
0xd9: {  	v9 =	vld.idx.msk [tilespmem:v12+s14+$0x0], $0xffff;
	v7 =	vor.u32 $0x180, v4;
	[tilespmem:s23+$0xFFFFFE30] =	vst v14  }
0xda: {  	v14 =	vor.u32 $0x80, v12;
	v17 =	vld.idx.msk [tilespmem:v17+s14+$0x0], $0xffff;
	[tilespmem:s23+$0xFFFFFE40] =	vst v16  }
0xdb: {  	v16 =	vor.u32 $0x100, v0;
	v6 =	vld.idx.msk [tilespmem:v6+s14+$0x0], $0xffff;
	[tilespmem:s23+$0xFFFFFE50] =	vst v18  }
0xdc: {  	v18 =	vor.u32 $0x100, v1;
	v13 =	vld.idx.msk [tilespmem:v13+s14+$0x0], $0xffff;
	[tilespmem:s23+$0xFFFFFF70] =	vst v5  }
0xdd: {  	v5 =	vor.u32 $0x100, v2;
	[tilespmem:s23+$0xFFFFFE80] =	vst v8;
	v8 =	vld.idx.msk [tilespmem:v19+s14+$0x0], $0xffff  }
0xde: {  	[tilespmem:s23+$0xFFFFFE60] =	vst v9;
	v9 =	vor.u32 $0x100, v3;
	v7 =	vld.idx.msk [tilespmem:v7+s14+$0x0], $0xffff  }
0xdf: {  	[tilespmem:s23+$0xFFFFFE90] =	vst v15;
	v19 =	vor.u32 $0x100, v10;
	v14 =	vld.idx.msk [tilespmem:v14+s14+$0x0], $0xffff  }
0xe0: {  	[tilespmem:s23+$0xFFFFFEA0] =	vst v17;
	v17 =	vor.u32 $0x100, v11;
	v16 =	vld.idx.msk [tilespmem:v16+s14+$0x0], $0xffff  }
0xe1: {  	v15 =	vor.u32 $0x200, v4;
	v18 =	vld.idx.msk [tilespmem:v18+s14+$0x0], $0xffff;
	[tilespmem:s23+$0xFFFFFEB0] =	vst v6  }
0xe2: {  	v6 =	vor.u32 $0x100, v12;
	v5 =	vld.idx.msk [tilespmem:v5+s14+$0x0], $0xffff;
	[tilespmem:s23+$0xFFFFFEC0] =	vst v13  }
0xe3: {  	v13 =	vor.u32 $0x180, v0;
	v9 =	vld.idx.msk [tilespmem:v9+s14+$0x0], $0xffff;
	[tilespmem:s23+$0xFFFFFED0] =	vst v8  }
0xe4: {  	[tilespmem:s23+$0xFFFFFFF0] =	vst v7;
	v7 =	vor.u32 $0x180, v1;
	v19 =	vld.idx.msk [tilespmem:v19+s14+$0x0], $0xffff  }
0xe5: {  	[tilespmem:s23+$0xFFFFFEE0] =	vst v14;
	v14 =	vld.idx.msk [tilespmem:v17+s14+$0x0], $0xffff;
	v17 =	vor.u32 $0x180, v3  }
0xe6: {  	v8 =	vld.idx.msk [tilespmem:v15+s14+$0x0], $0xffff;
	v15 =	vor.u32 $0x180, v2;
	[tilespmem:s23+$0xFFFFFF00] =	vst v16  }
0xe7: {  	v16 =	vor.u32 $0x280, v4;
	[tilespmem:s23+$0xFFFFFF10] =	vst v18;
	v6 =	vld.idx.msk [tilespmem:v6+s14+$0x0], $0xffff  }
0xe8: {  	v18 =	vor.u32 $0x180, v10;
	v13 =	vld.idx.msk [tilespmem:v13+s14+$0x0], $0xffff;
	[tilespmem:s23+$0xFFFFFF20] =	vst v5  }
0xe9: {  	v5 =	vor.u32 $0x180, v11;
	[tilespmem:s23+$0xFFFFFF30] =	vst v9;
	v7 =	vld.idx.msk [tilespmem:v7+s14+$0x0], $0xffff  }
0xea: {  	v9 =	vor.u32 $0x180, v12;
	[tilespmem:s23+$0xFFFFFF40] =	vst v19;
	v17 =	vld.idx.msk [tilespmem:v17+s14+$0x0], $0xffff  }
0xeb: {  	v15 =	vld.idx.msk [tilespmem:v15+s14+$0x0], $0xffff;
	[tilespmem:s23+$0x70] =	vst v8;
	v8 =	vor.u32 $0x200, v0  }
0xec: {  	v19 =	vor.u32 $0x200, v1;
	[tilespmem:s23+$0xFFFFFF50] =	vst v14;
	v16 =	vld.idx.msk [tilespmem:v16+s14+$0x0], $0xffff  }
0xed: {  	v14 =	vld.idx.msk [tilespmem:v18+s14+$0x0], $0xffff;
	[tilespmem:s23+$0xFFFFFF60] =	vst v6;
	v6 =	vor.u32 $0x300, v4  }
0xee: {  	v18 =	vor.u32 $0x200, v2;
	[tilespmem:s23+$0xFFFFFF80] =	vst v13;
	v5 =	vld.idx.msk [tilespmem:v5+s14+$0x0], $0xffff  }
0xef: {  	v13 =	vor.u32 $0x200, v3;
	[tilespmem:s23+$0xFFFFFF90] =	vst v7;
	v7 =	vld.idx.msk [tilespmem:v9+s14+$0x0], $0xffff  }
0xf0: {  	v9 =	vor.u32 $0x200, v10;
	v8 =	vld.idx.msk [tilespmem:v8+s14+$0x0], $0xffff;
	[tilespmem:s23+$0xFFFFFFA0] =	vst v15  }
0xf1: {  	v15 =	vor.u32 $0x200, v11;
	v19 =	vld.idx.msk [tilespmem:v19+s14+$0x0], $0xffff;
	[tilespmem:s23+$0xF0] =	vst v16  }
0xf2: {  	[tilespmem:s23+$0xFFFFFFB0] =	vst v17;
	v16 =	vor.u32 $0x200, v12;
	v6 =	vld.idx.msk [tilespmem:v6+s14+$0x0], $0xffff  }
0xf3: {  	v17 =	vor.u32 $0x280, v0;
	v18 =	vld.idx.msk [tilespmem:v18+s14+$0x0], $0xffff;
	[tilespmem:s23+$0xFFFFFFC0] =	vst v14  }
0xf4: {  	v4 =	vor.u32 $0x380, v4;
	v13 =	vld.idx.msk [tilespmem:v13+s14+$0x0], $0xffff;
	[tilespmem:s23+$0xFFFFFFD0] =	vst v5  }
0xf5: {  	v5 =	vor.u32 $0x280, v1;
	v9 =	vld.idx.msk [tilespmem:v9+s14+$0x0], $0xffff;
	[tilespmem:s23+$0xFFFFFFE0] =	vst v7  }
0xf6: {  	v7 =	vor.u32 $0x280, v2;
	[tilespmem:s23+$0x0] =	vst v8;
	v8 =	vld.idx.msk [tilespmem:v15+s14+$0x0], $0xffff  }
0xf7: {  	v14 =	vor.u32 $0x280, v3;
	[tilespmem:s23+$0x10] =	vst v19;
	v15 =	vld.idx.msk [tilespmem:v16+s14+$0x0], $0xffff  }
0xf8: {  	v16 =	vor.u32 $0x280, v10;
	v17 =	vld.idx.msk [tilespmem:v17+s14+$0x0], $0xffff;
	[tilespmem:s23+$0x170] =	vst v6  }
0xf9: {  	v6 =	vor.u32 $0x280, v11;
	[tilespmem:s23+$0x20] =	vst v18;
	v4 =	vld.idx.msk [tilespmem:v4+s14+$0x0], $0xffff  }
0xfa: {  	v18 =	vor.u32 $0x280, v12;
	v5 =	vld.idx.msk [tilespmem:v5+s14+$0x0], $0xffff;
	[tilespmem:s23+$0x30] =	vst v13  }
0xfb: {  	v13 =	vor.u32 $0x300, v0;
	v7 =	vld.idx.msk [tilespmem:v7+s14+$0x0], $0xffff;
	[tilespmem:s23+$0x40] =	vst v9  }
0xfc: {  	v9 =	vor.u32 $0x300, v1;
	v19 =	vld.idx.msk [tilespmem:v14+s14+$0x0], $0xffff;
	[tilespmem:s23+$0x50] =	vst v8  }
0xfd: {  	v20 =	vor.u32 $0x300, v2;
	v21 =	vld.idx.msk [tilespmem:v16+s14+$0x0], $0xffff;
	[tilespmem:s23+$0x60] =	vst v15  }
0xfe: {  	v22 =	vor.u32 $0x300, v3;
	[tilespmem:s23+$0x80] =	vst v17;
	v17 =	vld.idx.msk [tilespmem:v6+s14+$0x0], $0xffff  }
0xff: {  	v23 =	vor.u32 $0x300, v10;
	v15 =	vld.idx.msk [tilespmem:v18+s14+$0x0], $0xffff;
	[tilespmem:s23+$0x1F0] =	vst v4  }
0x100: {  	v14 =	vld.idx.msk [tilespmem:v13+s14+$0x0], $0xffff;
	[tilespmem:s23+$0x90] =	vst v5  }
0x101: {  	v13 =	vld.idx.msk [tilespmem:v9+s14+$0x0], $0xffff;
	[tilespmem:s23+$0xA0] =	vst v7  }
0x102: {  	v8 =	vor.u32 $0x300, v11;
	v6 =	vor.u32 $0x380, v1;
	v1 =	vor.u32 $0x380, v11;
	[tilespmem:s23+$0xB0] =	vst v19;
	v16 =	vld.idx.msk [tilespmem:v20+s14+$0x0], $0xffff  }
0x103: {  	v5 =	vor.u32 $0x380, v2;
	v4 =	vor.u32 $0x380, v3;
	v2 =	vor.u32 $0x380, v10;
	v3 =	vld.idx.msk [tilespmem:v22+s14+$0x0], $0xffff;
	[tilespmem:s23+$0xC0] =	vst v21  }
0x104: {  	s26 =	simm.s32 $0xC0;
	s25 =	simm.s32 $0x0;
	s24 =	simm.s32 $0xCA00;
	v7 =	vor.u32 $0x380, v0;
	v9 =	vor.u32 $0x300, v12;
	v0 =	vor.u32 $0x380, v12;
	v10 =	vld.idx.msk [tilespmem:v23+s14+$0x0], $0xffff;
	[tilespmem:s23+$0xD0] =	vst v17  }
.LBB2_5:
0x105: {  	v11 =	vld [tilespmem:s26+$0x30];
	s25 =	sadd.s32 $0x8, s25;
	[tilespmem:s23+$0xE0] =	vst v15  }
0x106: {  	v12 =	vld [tilespmem:s26+$0xFFFFFFD0];
	p0 =	slt.u32 s25, $0x78;
	[tilespmem:s23+$0x100] =	vst v14  }
0x107: {  	v14 =	vld [tilespmem:s26+$0xFFFFFFE0];
	[tilespmem:s23+$0x110] =	vst v13  }
0x108: {  	v13 =	vld [tilespmem:s26+$0xFFFFFFF0];
	[tilespmem:s23+$0x120] =	vst v16  }
0x109: {  	v15 =	vld [tilespmem:s26+$0x0];
	[tilespmem:s23+$0x130] =	vst v3  }
0x10a: {  	v16 =	vld [tilespmem:s26+$0x10];
	v3 =	vshll.u32 v11, $0x3;
	[tilespmem:s23+$0x140] =	vst v10  }
0x10b: {  	v11 =	vand.u32 $0x7F, v11;
	v10 =	vshll.u32 v12, $0x3;
	v17 =	vld [tilespmem:s26+$0x20];
	v3 =	vand.u32 $0xFFFFFC00, v3  }
0x10c: {  	v18 =	vld [tilespmem:s26+$0xFFFFFFC0];
	v10 =	vand.u32 $0xFFFFFC00, v10;
	v19 =	vshll.u32 v14, $0x3;
	v3 =	vor.u32 v11, v3  }
0x10d: {  	v11 =	vand.u32 $0x7F, v12;
	v12 =	vand.u32 $0xFFFFFC00, v19;
	v19 =	vshll.u32 v13, $0x3;
	v8 =	vld.idx.msk [tilespmem:v8+s14+$0x0], $0xffff  }
0x10e: {  	v14 =	vand.u32 $0x7F, v14;
	v19 =	vand.u32 $0xFFFFFC00, v19;
	v20 =	vshll.u32 v15, $0x3;
	v9 =	vld.idx.msk [tilespmem:v9+s14+$0x0], $0xffff  }
0x10f: {  	v13 =	vand.u32 $0x7F, v13;
	v20 =	vand.u32 $0xFFFFFC00, v20;
	v21 =	vshll.u32 v16, $0x3;
	v7 =	vld.idx.msk [tilespmem:v7+s14+$0x0], $0xffff  }
0x110: {  	v15 =	vand.u32 $0x7F, v15;
	v21 =	vand.u32 $0xFFFFFC00, v21;
	v22 =	vshll.u32 v17, $0x3;
	v6 =	vld.idx.msk [tilespmem:v6+s14+$0x0], $0xffff  }
0x111: {  	v23 =	vand.u32 $0x7F, v18;
	v18 =	vshll.u32 v18, $0x3;
	v22 =	vand.u32 $0xFFFFFC00, v22;
	v24 =	vld.idx.msk [tilespmem:v3+s14+$0x0], $0xffff  }
0x112: {  	v16 =	vand.u32 $0x7F, v16;
	v17 =	vand.u32 $0x7F, v17;
	v18 =	vand.u32 $0xFFFFFC00, v18;
	v5 =	vld.idx.msk [tilespmem:v5+s14+$0x0], $0xffff  }
0x113: {  	v25 =	vor.u32 v11, v10;
	v10 =	vor.u32 $0x80, v3;
	v23 =	vor.u32 v23, v18;
	v4 =	vld.idx.msk [tilespmem:v4+s14+$0x0], $0xffff;
	[tilespmem:s23+$0x150] =	vst v8  }
0x114: {  	v26 =	vor.u32 v14, v12;
	v27 =	vor.u32 v13, v19;
	v28 =	vor.u32 v15, v20;
	[tilespmem:s23+$0x160] =	vst v9  }
0x115: {  	v21 =	vor.u32 v16, v21;
	v22 =	vor.u32 v17, v22;
	v8 =	vor.u32 $0x80, v23;
	[tilespmem:s23+$0x180] =	vst v7;
	v2 =	vld.idx.msk [tilespmem:v2+s14+$0x0], $0xffff  }
0x116: {  	v29 =	vor.u32 $0x80, v27;
	v9 =	vor.u32 $0x80, v26;
	v7 =	vor.u32 $0x80, v25;
	s23 =	sadd.s32 $0x400, s23;
	[tilespmem:s24+$0x190] =	vst v6;
	v1 =	vld.idx.msk [tilespmem:v1+s14+$0x0], $0xffff  }
0x117: {  	v30 =	vor.u32 $0x80, v28;
	v31 =	vor.u32 $0x80, v21;
	v32 =	vor.u32 $0x80, v22;
	[tilespmem:s23+$0xFFFFFE70] =	vst v24;
	v0 =	vld.idx.msk [tilespmem:v0+s14+$0x0], $0xffff  }
0x118: {  	v33 =	vor.u32 $0x100, v25;
	v34 =	vor.u32 $0x100, v26;
	v24 =	vor.u32 $0x100, v23;
	v6 =	vld.idx.msk [tilespmem:v10+s14+$0x0], $0xffff;
	[tilespmem:s24+$0x1A0] =	vst v5  }
0x119: {  	v35 =	vor.u32 $0x100, v27;
	v36 =	vor.u32 $0x100, v28;
	v37 =	vor.u32 $0x100, v21;
	v5 =	vld.idx.msk [tilespmem:v23+s14+$0x0], $0xffff;
	[tilespmem:s24+$0x1B0] =	vst v4  }
0x11a: {  	v39 =	vor.u32 $0x100, v22;
	v38 =	vor.u32 $0x180, v23;
	v10 =	vor.u32 $0x100, v3;
	v4 =	vld.idx.msk [tilespmem:v25+s14+$0x0], $0xffff  }
0x11b: {  	v40 =	vor.u32 $0x180, v25;
	v41 =	vor.u32 $0x180, v26;
	v42 =	vor.u32 $0x180, v27;
	v11 =	vld.idx.msk [tilespmem:v26+s14+$0x0], $0xffff;
	[tilespmem:s24+$0x1C0] =	vst v2  }
0x11c: {  	v43 =	vor.u32 $0x180, v28;
	v44 =	vor.u32 $0x180, v21;
	v45 =	vor.u32 $0x180, v22;
	v2 =	vld.idx.msk [tilespmem:v27+s14+$0x0], $0xffff;
	[tilespmem:s24+$0x1D0] =	vst v1  }
0x11d: {  	v47 =	vor.u32 $0x200, v25;
	v48 =	vor.u32 $0x200, v26;
	v46 =	vor.u32 $0x200, v23;
	v1 =	vld.idx.msk [tilespmem:v28+s14+$0x0], $0xffff;
	[tilespmem:s24+$0x1E0] =	vst v0;
	s24 =	smov.u32 s23  }
0x11e: {  	v49 =	vor.u32 $0x200, v27;
	v50 =	vor.u32 $0x200, v28;
	v51 =	vor.u32 $0x200, v21;
	v0 =	vld.idx.msk [tilespmem:v21+s14+$0x0], $0xffff;
	[tilespmem:s23+$0xFFFFFEF0] =	vst v6  }
0x11f: {  	v18 =	vor.u32 $0x280, v25;
	v53 =	vor.u32 $0x200, v22;
	v52 =	vor.u32 $0x280, v23;
	[tilespmem:s23+$0xFFFFFE00] =	vst v5;
	v54 =	vld.idx.msk [tilespmem:v10+s14+$0x0], $0xffff  }
0x120: {  	v20 =	vor.u32 $0x280, v26;
	v19 =	vor.u32 $0x280, v27;
	v15 =	vor.u32 $0x280, v28;
	[tilespmem:s23+$0xFFFFFE10] =	vst v4;
	v55 =	vld.idx.msk [tilespmem:v22+s14+$0x0], $0xffff  }
0x121: {  	v57 =	vor.u32 $0x180, v3;
	v17 =	vor.u32 $0x280, v21;
	v16 =	vor.u32 $0x280, v22;
	v56 =	vld.idx.msk [tilespmem:v8+s14+$0x0], $0xffff;
	[tilespmem:s23+$0xFFFFFE20] =	vst v11  }
0x122: {  	v13 =	vor.u32 $0x300, v25;
	v14 =	vor.u32 $0x300, v23;
	v10 =	vor.u32 $0x300, v26;
	v58 =	vld.idx.msk [tilespmem:v7+s14+$0x0], $0xffff;
	[tilespmem:s23+$0xFFFFFE30] =	vst v2  }
0x123: {  	v12 =	vor.u32 $0x300, v27;
	v11 =	vor.u32 $0x300, v28;
	v8 =	vor.u32 $0x300, v21;
	v59 =	vld.idx.msk [tilespmem:v9+s14+$0x0], $0xffff;
	[tilespmem:s23+$0xFFFFFE40] =	vst v1  }
0x124: {  	v6 =	vor.u32 $0x380, v25;
	v7 =	vor.u32 $0x380, v23;
	v9 =	vor.u32 $0x300, v22;
	v23 =	vld.idx.msk [tilespmem:v29+s14+$0x0], $0xffff;
	[tilespmem:s23+$0xFFFFFE50] =	vst v0  }
0x125: {  	v5 =	vor.u32 $0x380, v26;
	v4 =	vor.u32 $0x380, v27;
	v2 =	vor.u32 $0x380, v28;
	v25 =	vld.idx.msk [tilespmem:v30+s14+$0x0], $0xffff;
	[tilespmem:s23+$0xFFFFFF70] =	vst v54  }
0x126: {  	v1 =	vor.u32 $0x380, v21;
	v0 =	vor.u32 $0x380, v22;
	[tilespmem:s23+$0xFFFFFE60] =	vst v55;
	v21 =	vld.idx.msk [tilespmem:v57+s14+$0x0], $0xffff  }
0x127: {  	[tilespmem:s23+$0xFFFFFE80] =	vst v56;
	v22 =	vld.idx.msk [tilespmem:v31+s14+$0x0], $0xffff  }
0x128: {  	v27 =	vor.u32 $0x200, v3;
	[tilespmem:s23+$0xFFFFFE90] =	vst v58;
	v26 =	vld.idx.msk [tilespmem:v32+s14+$0x0], $0xffff  }
0x129: {  	v24 =	vld.idx.msk [tilespmem:v24+s14+$0x0], $0xffff;
	[tilespmem:s23+$0xFFFFFEA0] =	vst v59  }
0x12a: {  	v28 =	vld.idx.msk [tilespmem:v33+s14+$0x0], $0xffff;
	[tilespmem:s23+$0xFFFFFEB0] =	vst v23  }
0x12b: {  	v23 =	vld.idx.msk [tilespmem:v34+s14+$0x0], $0xffff;
	[tilespmem:s23+$0xFFFFFEC0] =	vst v25  }
0x12c: {  	v25 =	vld.idx.msk [tilespmem:v35+s14+$0x0], $0xffff;
	[tilespmem:s23+$0xFFFFFFF0] =	vst v21  }
0x12d: {  	[tilespmem:s23+$0xFFFFFED0] =	vst v22;
	v21 =	vld.idx.msk [tilespmem:v27+s14+$0x0], $0xffff  }
0x12e: {  	v22 =	vld.idx.msk [tilespmem:v36+s14+$0x0], $0xffff;
	[tilespmem:s23+$0xFFFFFEE0] =	vst v26  }
0x12f: {  	v26 =	vor.u32 $0x280, v3;
	[tilespmem:s23+$0xFFFFFF00] =	vst v24;
	v24 =	vld.idx.msk [tilespmem:v37+s14+$0x0], $0xffff  }
0x130: {  	[tilespmem:s23+$0xFFFFFF10] =	vst v28;
	v27 =	vld.idx.msk [tilespmem:v39+s14+$0x0], $0xffff  }
0x131: {  	v28 =	vld.idx.msk [tilespmem:v38+s14+$0x0], $0xffff;
	[tilespmem:s23+$0xFFFFFF20] =	vst v23  }
0x132: {  	v23 =	vld.idx.msk [tilespmem:v40+s14+$0x0], $0xffff;
	[tilespmem:s23+$0xFFFFFF30] =	vst v25  }
0x133: {  	v25 =	vld.idx.msk [tilespmem:v41+s14+$0x0], $0xffff;
	[tilespmem:s23+$0x70] =	vst v21  }
0x134: {  	[tilespmem:s23+$0xFFFFFF40] =	vst v22;
	v21 =	vld.idx.msk [tilespmem:v26+s14+$0x0], $0xffff  }
0x135: {  	v22 =	vld.idx.msk [tilespmem:v42+s14+$0x0], $0xffff;
	[tilespmem:s23+$0xFFFFFF50] =	vst v24  }
0x136: {  	v26 =	vor.u32 $0x300, v3;
	v24 =	vld.idx.msk [tilespmem:v43+s14+$0x0], $0xffff;
	[tilespmem:s23+$0xFFFFFF60] =	vst v27  }
0x137: {  	[tilespmem:s23+$0xFFFFFF80] =	vst v28;
	v27 =	vld.idx.msk [tilespmem:v44+s14+$0x0], $0xffff  }
0x138: {  	[tilespmem:s23+$0xFFFFFF90] =	vst v23;
	v23 =	vld.idx.msk [tilespmem:v45+s14+$0x0], $0xffff  }
0x139: {  	v28 =	vld.idx.msk [tilespmem:v46+s14+$0x0], $0xffff;
	[tilespmem:s23+$0xFFFFFFA0] =	vst v25  }
0x13a: {  	v25 =	vld.idx.msk [tilespmem:v47+s14+$0x0], $0xffff;
	[tilespmem:s23+$0xF0] =	vst v21  }
0x13b: {  	[tilespmem:s23+$0xFFFFFFB0] =	vst v22;
	v21 =	vld.idx.msk [tilespmem:v26+s14+$0x0], $0xffff  }
0x13c: {  	v22 =	vld.idx.msk [tilespmem:v48+s14+$0x0], $0xffff;
	[tilespmem:s23+$0xFFFFFFC0] =	vst v24  }
0x13d: {  	v3 =	vor.u32 $0x380, v3;
	v24 =	vld.idx.msk [tilespmem:v49+s14+$0x0], $0xffff;
	[tilespmem:s23+$0xFFFFFFD0] =	vst v27  }
0x13e: {  	v26 =	vld.idx.msk [tilespmem:v50+s14+$0x0], $0xffff;
	[tilespmem:s23+$0xFFFFFFE0] =	vst v23  }
0x13f: {  	[tilespmem:s23+$0x0] =	vst v28;
	v23 =	vld.idx.msk [tilespmem:v51+s14+$0x0], $0xffff  }
0x140: {  	[tilespmem:s23+$0x10] =	vst v25;
	v25 =	vld.idx.msk [tilespmem:v53+s14+$0x0], $0xffff  }
0x141: {  	v27 =	vld.idx.msk [tilespmem:v52+s14+$0x0], $0xffff;
	[tilespmem:s23+$0x170] =	vst v21  }
0x142: {  	[tilespmem:s23+$0x20] =	vst v22;
	v3 =	vld.idx.msk [tilespmem:v3+s14+$0x0], $0xffff  }
0x143: {  	v18 =	vld.idx.msk [tilespmem:v18+s14+$0x0], $0xffff;
	[tilespmem:s23+$0x30] =	vst v24  }
0x144: {  	v20 =	vld.idx.msk [tilespmem:v20+s14+$0x0], $0xffff;
	[tilespmem:s23+$0x40] =	vst v26  }
0x145: {  	v19 =	vld.idx.msk [tilespmem:v19+s14+$0x0], $0xffff;
	[tilespmem:s23+$0x50] =	vst v23  }
0x146: {  	v21 =	vld.idx.msk [tilespmem:v15+s14+$0x0], $0xffff;
	[tilespmem:s23+$0x60] =	vst v25  }
0x147: {  	[tilespmem:s23+$0x80] =	vst v27;
	v17 =	vld.idx.msk [tilespmem:v17+s14+$0x0], $0xffff  }
0x148: {  	v15 =	vld.idx.msk [tilespmem:v16+s14+$0x0], $0xffff;
	[tilespmem:s23+$0x1F0] =	vst v3  }
.Ltmp1:
0x149: {  	v14 =	vld.idx.msk [tilespmem:v14+s14+$0x0], $0xffff;
	[tilespmem:s23+$0x90] =	vst v18;
	(pc) =	sbr.rel @p0 .LBB2_5-.Ltmp1, $4  }
0x14a: {  	v13 =	vld.idx.msk [tilespmem:v13+s14+$0x0], $0xffff;
	[tilespmem:s23+$0xA0] =	vst v20  }
0x14b: {  	v16 =	vld.idx.msk [tilespmem:v10+s14+$0x0], $0xffff;
	[tilespmem:s23+$0xB0] =	vst v19  }
0x14c: {  	v3 =	vld.idx.msk [tilespmem:v12+s14+$0x0], $0xffff;
	[tilespmem:s23+$0xC0] =	vst v21  }
0x14d: {  	s26 =	sadd.s32 $0x80, s26;
	v10 =	vld.idx.msk [tilespmem:v11+s14+$0x0], $0xffff;
	[tilespmem:s23+$0xD0] =	vst v17  }
0x14e: {  	_ =	sdelay $0x2  }
0x14f: {  	[tilespmem:s23+$0xE0] =	vst v15  }
0x150: {  	[tilespmem:s23+$0x100] =	vst v14;
	v8 =	vld.idx.msk [tilespmem:v8+s14+$0x0], $0xffff  }
0x151: {  	[tilespmem:s23+$0x110] =	vst v13;
	v9 =	vld.idx.msk [tilespmem:v9+s14+$0x0], $0xffff  }
0x152: {  	v7 =	vld.idx.msk [tilespmem:v7+s14+$0x0], $0xffff;
	[tilespmem:s23+$0x120] =	vst v16  }
0x153: {  	v63 =	vld.idx.msk [tilespmem:v6+s14+$0x0], $0xffff;
	[tilespmem:s23+$0x130] =	vst v3  }
0x154: {  	v5 =	vld.idx.msk [tilespmem:v5+s14+$0x0], $0xffff;
	[tilespmem:s23+$0x140] =	vst v10  }
0x155: {  	v4 =	vld.idx.msk [tilespmem:v4+s14+$0x0], $0xffff;
	[tilespmem:s23+$0x150] =	vst v8  }
0x156: {  	v2 =	vld.idx.msk [tilespmem:v2+s14+$0x0], $0xffff;
	[tilespmem:s23+$0x160] =	vst v9  }
0x157: {  	[tilespmem:s23+$0x180] =	vst v7;
	v1 =	vld.idx.msk [tilespmem:v1+s14+$0x0], $0xffff  }
0x158: {  	s21 =	sadd.s32 $0x1, s21;
	[tilespmem:s24+$0x190] =	vst v63;
	v0 =	vld.idx.msk [tilespmem:v0+s14+$0x0], $0xffff  }
0x159: {  	p0 =	sne.s32 s21, $0x10;
	[tilespmem:s24+$0x1A0] =	vst v5  }
.Ltmp2:
0x15a: {  	[tilespmem:s24+$0x1B0] =	vst v4;
	(pc) =	sbr.rel @p0 .LBB2_2-.Ltmp2, $4  }
0x15b: {  	[tilespmem:s24+$0x1C0] =	vst v2  }
0x15c: {  	[tilespmem:s24+$0x1D0] =	vst v1  }
0x15d: {  	s22 =	sadd.s32 s2, s22;
	[tilespmem:s24+$0x1E0] =	vst v0  }
0x15e: {  	[hbm4b:s22+s4] =	stream.linear.scatter [tilespmem:s17], [sflag:$0x4], $0x4000, $0x38;
	[tilespmem:$0x10800] =	vst v63  }
0x15f: {  	s20 =	sadd.s32 $0x1, s20  }
0x160: {  	_ =	swait.ge [sflag:s18], $0x4000;
	p0 =	sne.s32 s20, s10  }
.Ltmp3:
0x161: {  	[sflag:s18] =	ssyncset.done $0x0;
	(pc) =	sbr.rel @p0 .LBB2_1-.Ltmp3, $4  }
0x162: {  	[sflag:s18] =	ssyncadd.s32 $0xFFFFC000  }
0x163: {  	_ =	swait.ge [sflag:s19], $0x4000  }
0x164: {  	[sflag:s19] =	ssyncset.done $0x0  }
0x165: {  	[sflag:s19] =	ssyncadd.s32 $0xFFFFC000  }
0x166: {  	_ =	sfence.sel $0x180000  }
0x167: {  	[bflag:$0x0] =	sbarrier.arrive $0xFFFF  }
0x168: {  	p0 =	sne.s32 s3, $0x0;
	_ =	strace $0x90000047  }
0x169: {  	s0 =	sadd.s32 @!p0 $0x100000, s0;
	[bflag:$0x2] =	sbarrier.arrive $0xFFFF  }
0x16a: {  	[sflag:s0] =	ssyncadd.tile.s32 @!p0 $0x1;
	_ =	shalt  }
.Lfunc_end2:
_tile_overlayer_lowered:
.L_overlay_start_2:
0x16b: {  	(tag) =	ssettag $0x2  }
0x16c: {  	s0 =	rddreg [dreg:$0x0];
	s2 =	stileid.u32  }
0x16d: {  	s1 =	rddreg [dreg:$0x1];
	p0 =	sne.s32 s2, $0x0  }
0x16e: {  	s3 =	rddreg [dreg:$0x2];
	[bflag:$0x3] =	sbarrier.arrive $0xFFFF;
	s2 =	simm.s32 @!p0 $0x1C05  }
0x16f: {  	[timem:s3], [sflag:s2] =	dma.local @!p0 [hbm:s0], s1  }
0x170: {  	s0 =	simm.s32 @!p0 $0x5  }
0x171: {  	_ =	swait.ge @!p0 [sflag:s0], s1  }
0x172: {  	s1 =	ssub.s32 @!p0 $0x0, s1;
	[sflag:s0] =	ssyncset.done @!p0 $0x0  }
0x173: {  	[sflag:s0] =	ssyncadd.s32 @!p0 s1  }
0x174: {  	[bflag:$0x3] =	sbarrier.arrive $0xFFFF  }
0x175: {  	_ =	shalt  }

</sc_bundles>
